<compile_context>
chip_gen: v7x
topology: tpu7x:2x2x1
jax: 0.10.2.dev20260603
libtpu: 0.0.44.dev20260713+nightly
codegen_flags: <defaults>
</compile_context>

<pallas_src>
import functools

import jax
import jax.numpy as jnp
from jax import lax
from jax.experimental import pallas as pl
from jax.experimental.pallas import tpu as pltpu
from jax.experimental.pallas import tpu_sc as plsc

D = 768
F = 1024
E = 8
T = 2048
AUX = 0.01
BT = 512
NB = -(-T // BT) + E
TP = NB * BT
CH = 128
NW = 32
CHUNK = T // NW


def _router_body(x_ref, w_ref, b_ref, pos_ref, gate_ref, be_ref, nv_ref,
                 aux_ref):
    x = x_ref[...]
    w = w_ref[...]
    b = b_ref[...]
    logits = jnp.dot(x, w, preferred_element_type=jnp.float32) + b
    m = jnp.max(logits, axis=1, keepdims=True)
    ex = jnp.exp(logits - m)
    probs = ex / jnp.sum(ex, axis=1, keepdims=True)
    gate = jnp.max(probs, axis=1, keepdims=True)
    eio = lax.broadcasted_iota(jnp.int32, (T, E), 1)
    onehot = (jnp.min(jnp.where(probs >= gate, eio, E), axis=1, keepdims=True)
              == eio).astype(jnp.float32)
    counts = jnp.sum(onehot, axis=0, keepdims=True)

    importance = jnp.sum(probs, axis=0, keepdims=True) * (1.0 / T)
    aux_ref[...] = (AUX * E) * jnp.sum(importance * counts * (1.0 / T),
                                       axis=1, keepdims=True)

    tri = (lax.broadcasted_iota(jnp.int32, (CH, CH), 0)
           >= lax.broadcasted_iota(jnp.int32, (CH, CH), 1)).astype(jnp.float32)
    chunks = []
    carry = jnp.zeros((1, E), jnp.float32)
    for c in range(T // CH):
        ch = onehot[c * CH:(c + 1) * CH, :]
        incl = jnp.dot(tri, ch, preferred_element_type=jnp.float32)
        excl = incl - ch + carry
        chunks.append(jnp.sum(excl * ch, axis=1, keepdims=True))
        carry = carry + jnp.sum(ch, axis=0, keepdims=True)
    rank = jnp.concatenate(chunks, axis=0)

    pc = jnp.ceil(counts * (1.0 / BT)) * BT
    lt8 = (lax.broadcasted_iota(jnp.int32, (E, E), 0)
           < lax.broadcasted_iota(jnp.int32, (E, E), 1)).astype(jnp.float32)
    po = jnp.dot(pc, lt8, preferred_element_type=jnp.float32)
    pos = rank + jnp.sum(onehot * po, axis=1, keepdims=True)
    pos_ref[...] = pos.astype(jnp.int32)
    gate_ref[...] = jnp.broadcast_to(gate, (T, 128))

    po_i = po.astype(jnp.int32)
    pc_i = pc.astype(jnp.int32)
    bstart = lax.broadcasted_iota(jnp.int32, (NB, E), 0) * BT
    eio8 = lax.broadcasted_iota(jnp.int32, (NB, E), 1)
    inblk = (bstart >= po_i) & (bstart < po_i + pc_i)
    used = jnp.max(jnp.sum(jnp.where(inblk, eio8, 0), axis=1, keepdims=True),
                   axis=0, keepdims=True)
    be = jnp.sum(jnp.where(inblk, eio8, 0), axis=1, keepdims=True)
    anyblk = jnp.sum(inblk.astype(jnp.int32), axis=1, keepdims=True) > 0
    be_ref[...] = jnp.where(anyblk, be, used)
    cn_i = counts.astype(jnp.int32)
    nv = jnp.clip(cn_i - (bstart - po_i), 0, BT)
    nv_ref[...] = jnp.sum(jnp.where(inblk, nv, 0), axis=1, keepdims=True)


def _ffn_body(be_ref, nv_ref, x_ref, g_ref, w1_ref, w3_ref, w2_ref, y_ref):
    @pl.when(nv_ref[pl.program_id(0), 0] > 0)
    def _compute():
        xb = x_ref[...].astype(jnp.bfloat16)
        w1b = w1_ref[0].astype(jnp.bfloat16)
        w3b = w3_ref[0].astype(jnp.bfloat16)
        w2b = w2_ref[0].astype(jnp.bfloat16)
        h = jnp.dot(xb, w1b, preferred_element_type=jnp.float32)
        g = jnp.dot(xb, w3b, preferred_element_type=jnp.float32)
        a = h * (1.0 / (1.0 + jnp.exp(-h))) * g
        y = jnp.dot(a.astype(jnp.bfloat16), w2b,
                    preferred_element_type=jnp.float32)
        y_ref[...] = y * g_ref[...][:, 0:1]


@functools.lru_cache(maxsize=1)
def _sc_kernels():
    mesh = plsc.VectorSubcoreMesh(core_axis_name="c", subcore_axis_name="s")

    @functools.partial(
        pl.kernel,
        out_type=(jax.ShapeDtypeStruct((TP, D), jnp.float32),
                  jax.ShapeDtypeStruct((TP, 128), jnp.float32)),
        mesh=mesh,
        scratch_types=[pltpu.VMEM((CHUNK,), jnp.int32),
                       pltpu.VMEM((CHUNK, D), jnp.float32),
                       pltpu.VMEM((CHUNK, 128), jnp.float32),
                       pltpu.SemaphoreType.DMA,
                       pltpu.SemaphoreType.DMA],
    )
    def dispatch(x_hbm, pos_hbm, gate_hbm, xs_hbm, gs_hbm,
                 idx_v, rows_v, gate_v, sem1, sem2):
        wid = lax.axis_index("s") * 2 + lax.axis_index("c")
        base = wid * CHUNK
        pltpu.sync_copy(pos_hbm.at[pl.ds(base, CHUNK)], idx_v)
        pltpu.sync_copy(x_hbm.at[pl.ds(base, CHUNK)], rows_v)
        pltpu.sync_copy(gate_hbm.at[pl.ds(base, CHUNK)], gate_v)
        cp1 = pltpu.async_copy(rows_v, xs_hbm.at[idx_v], sem1)
        cp2 = pltpu.async_copy(gate_v, gs_hbm.at[idx_v], sem2)
        cp1.wait()
        cp2.wait()

    @functools.partial(
        pl.kernel,
        out_type=jax.ShapeDtypeStruct((T, D), jnp.float32),
        mesh=mesh,
        scratch_types=[pltpu.VMEM((CHUNK,), jnp.int32),
                       pltpu.VMEM((CHUNK, D), jnp.float32),
                       pltpu.SemaphoreType.DMA],
    )
    def combine(y_hbm, pos_hbm, out_hbm, idx_v, rows_v, sem):
        wid = lax.axis_index("s") * 2 + lax.axis_index("c")
        base = wid * CHUNK
        pltpu.sync_copy(pos_hbm.at[pl.ds(base, CHUNK)], idx_v)
        pltpu.async_copy(y_hbm.at[idx_v], rows_v, sem).wait()
        pltpu.sync_copy(rows_v, out_hbm.at[pl.ds(base, CHUNK)])

    return dispatch, combine


def kernel(x, router_w, router_b, w1, w3, w2):
    x_flat = x.reshape(T, D)
    pos2, gate16, be2, nv2, aux = pl.pallas_call(
        _router_body,
        out_shape=(jax.ShapeDtypeStruct((T, 1), jnp.int32),
                   jax.ShapeDtypeStruct((T, 128), jnp.float32),
                   jax.ShapeDtypeStruct((NB, 1), jnp.int32),
                   jax.ShapeDtypeStruct((NB, 1), jnp.int32),
                   jax.ShapeDtypeStruct((1, 1), jnp.float32)),
    )(x_flat, router_w, router_b.reshape(1, E))
    pos = pos2.reshape(T)
    dispatch, combine = _sc_kernels()
    x_sorted, gate_sorted = dispatch(x_flat, pos, gate16)

    grid_spec = pltpu.PrefetchScalarGridSpec(
        num_scalar_prefetch=2,
        grid=(NB,),
        in_specs=[
            pl.BlockSpec((BT, D),
                         lambda i, be, nv: (jnp.where(nv[i, 0] > 0, i, 0), 0)),
            pl.BlockSpec((BT, 128),
                         lambda i, be, nv: (jnp.where(nv[i, 0] > 0, i, 0), 0)),
            pl.BlockSpec((1, D, F), lambda i, be, nv: (be[i, 0], 0, 0)),
            pl.BlockSpec((1, D, F), lambda i, be, nv: (be[i, 0], 0, 0)),
            pl.BlockSpec((1, F, D), lambda i, be, nv: (be[i, 0], 0, 0)),
        ],
        out_specs=pl.BlockSpec(
            (BT, D), lambda i, be, nv: (jnp.where(nv[i, 0] > 0, i, NB), 0)),
    )
    y_sorted = pl.pallas_call(
        _ffn_body,
        grid_spec=grid_spec,
        out_shape=jax.ShapeDtypeStruct((TP + BT, D), jnp.float32),
    )(be2, nv2, x_sorted, gate_sorted, w1, w3, w2)

    out = combine(y_sorted, pos)
    return out.reshape(x.shape), aux.reshape(()).astype(x.dtype)

# --- scband reference (transcript-rebuilt; emitter-appended) ---
"""Pipeline reference for scband-top-kmo-e-12017318494674 (READ-ONLY COPY).

The authoritative reference and input builder live on the scoring server;
editing this copy changes nothing except your own understanding.
"""

import jax, jax.numpy as jnp
import numpy as np

D_MODEL = 768
D_FF = 1024
E = 8
AUX_COEF = 0.01
B, S = 1, 2048


def setup_inputs(seed: int = 0) -> dict:
    key = jax.random.key(seed)
    ks = jax.random.split(key, 6)
    x = jax.random.normal(ks[0], (B, S, D_MODEL), dtype=jnp.float32)
    router_w = jax.random.normal(ks[1], (D_MODEL, E), dtype=jnp.float32) * (1.0 / np.sqrt(D_MODEL))
    router_b = jnp.zeros((E,), dtype=jnp.float32)
    w1 = jax.random.normal(ks[2], (E, D_MODEL, D_FF), dtype=jnp.float32) * (1.0 / np.sqrt(D_MODEL))
    w3 = jax.random.normal(ks[3], (E, D_MODEL, D_FF), dtype=jnp.float32) * (1.0 / np.sqrt(D_MODEL))
    w2 = jax.random.normal(ks[4], (E, D_FF, D_MODEL), dtype=jnp.float32) * (1.0 / np.sqrt(D_FF))
    return {"x": x, "router_w": router_w, "router_b": router_b, "w1": w1, "w3": w3, "w2": w2}


def _moe(x, router_w, router_b, w1, w3, w2):
    b, s, d = x.shape
    tokens = b * s
    x_flat = x.reshape(tokens, d)
    # router (nn.Linear with bias)
    router_logits = x_flat @ router_w + router_b
    router_probs = jax.nn.softmax(router_logits.astype(jnp.float32), axis=-1)
    # top_k == 1 path: gate = max prob, expert_idx = argmax
    gate = jnp.max(router_probs, axis=-1)
    expert_idx = jnp.argmax(router_probs, axis=-1)
    # aux loss: importance * load, scaled by num_routed_experts and coef
    importance = router_probs.mean(axis=0)
    load_counts = jnp.bincount(expert_idx, length=E).astype(jnp.float32)
    load = load_counts / float(max(tokens, 1))
    aux_loss = (AUX_COEF * (importance * load).sum() * float(E)).astype(x.dtype)
    # capacity_factor == 0.0 -> capacity = tokens -> no token is dropped.
    # So out[t] = gate[t] * SwiGLU_{expert_idx[t]}(x[t]); the torch sort/unsort is a
    # mathematical identity. Compute all experts densely and combine with one-hot.
    h = jnp.einsum('td,edf->etf', x_flat, w1)
    g = jnp.einsum('td,edf->etf', x_flat, w3)
    y_all = jnp.einsum('etf,efd->etd', jax.nn.silu(h) * g, w2)
    sel = jax.nn.one_hot(expert_idx, E, dtype=x_flat.dtype) * gate.astype(x_flat.dtype)[:, None]
    out = jnp.einsum('te,etd->td', sel, y_all).reshape(b, s, d)
    return out, aux_loss


def reference(x, router_w, router_b, w1, w3, w2):
    return _moe(x, router_w, router_b, w1, w3, w2)

if __name__ == "__main__":
    import jax
    _d = setup_inputs()
    print(jax.jit(kernel)(*tuple(_d.values())))

</pallas_src>

<mosaic_0001>
#map = affine_map<(d0, d1) -> (0, 0)>
#map1 = affine_map<(d0, d1) -> (0)>
module attributes {stable_mosaic.version = 14 : i64} {
  func.func @combine(%arg0: i32, %arg1: i32, %arg2: memref<6656x768xf32, #tpu.memory_space<hbm>>, %arg3: memref<2048xi32, #tpu.memory_space<hbm>>, %arg4: memref<2048x768xf32, #tpu.memory_space<hbm>>, %arg5: memref<64xi32, #tpu.memory_space<vmem>>, %arg6: memref<64x768xf32, #tpu.memory_space<vmem>>, %arg7: memref<!tpu.dma_semaphore, #tpu.memory_space<semaphore_mem>>) attributes {dimension_semantics = [#tpu.dimension_semantics<core_parallel>, #tpu.dimension_semantics<subcore_parallel>], iteration_bounds = array<i64: 2, 16>, scalar_prefetch = 0 : i64, scratch_operands = 3 : i64, tpu.core_type = #tpu.core_type<sc_vector_subcore>, window_params = [{transform_indices = #map}, {transform_indices = #map1}, {transform_indices = #map}]} {
    %mul3A = arith.constant 2 : i32
    %mul3A_0 = arith.muli %arg1, %mul3A : i32
    %add3A = arith.addi %mul3A_0, %arg0 : i32
    %mul3A_1 = arith.constant 64 : i32
    %mul3A_2 = arith.muli %add3A, %mul3A_1 : i32
    "tpu.region"() ({
      %run_scoped3A = tpu.sem_alloc : memref<!tpu.dma_semaphore, #tpu.memory_space<semaphore_mem>>
      %dma_start3A_7 = tpu.memref_slice %arg3[%mul3A_2] : memref<2048xi32, #tpu.memory_space<hbm>> -> memref<64xi32, #tpu.memory_space<hbm>>
      %dma_start3A_8 = tpu.memref_slice %arg3[%mul3A_2] : memref<2048xi32, #tpu.memory_space<hbm>> -> memref<64xi32, #tpu.memory_space<hbm>>
      tpu.enqueue_dma source(%dma_start3A_8 : memref<64xi32, #tpu.memory_space<hbm>>) target(%arg5 : memref<64xi32, #tpu.memory_space<vmem>>) target_semaphore(%run_scoped3A : memref<!tpu.dma_semaphore, #tpu.memory_space<semaphore_mem>>)
      %dma_wait3A_9 = tpu.memref_slice %arg3[%mul3A_2] : memref<2048xi32, #tpu.memory_space<hbm>> -> memref<64xi32, #tpu.memory_space<hbm>>
      %dma_wait3A_10 = tpu.memref_slice %arg3[%mul3A_2] : memref<2048xi32, #tpu.memory_space<hbm>> -> memref<64xi32, #tpu.memory_space<hbm>>
      tpu.wait_dma2 semaphore(%run_scoped3A : memref<!tpu.dma_semaphore, #tpu.memory_space<semaphore_mem>>) src(%dma_wait3A_10 : memref<64xi32, #tpu.memory_space<hbm>>) dst(%arg5 : memref<64xi32, #tpu.memory_space<vmem>>)
      tpu.yield
    }) : () -> ()
    %dma_start3A = arith.constant 0 : i32
    %dma_start3A_3 = arith.constant 0 : i32
    %dma_start3A_4 = tpu.memref_slice %arg2[%dma_start3A, %dma_start3A_3] : memref<6656x768xf32, #tpu.memory_space<hbm>> -> memref<6656x768xf32, #tpu.memory_space<hbm>>
    tpu.enqueue_indirect_dma source(%dma_start3A_4 : memref<6656x768xf32, #tpu.memory_space<hbm>>) target(%arg6 : memref<64x768xf32, #tpu.memory_space<vmem>>) offsets(%arg5 : memref<64xi32, #tpu.memory_space<vmem>>) semaphore(%arg7 : memref<!tpu.dma_semaphore, #tpu.memory_space<semaphore_mem>>)
    %dma_wait3A = arith.constant 0 : i32
    %dma_wait3A_5 = arith.constant 0 : i32
    %dma_wait3A_6 = tpu.memref_slice %arg2[%dma_wait3A, %dma_wait3A_5] : memref<6656x768xf32, #tpu.memory_space<hbm>> -> memref<6656x768xf32, #tpu.memory_space<hbm>>
    tpu.wait_indirect_dma semaphore(%arg7 : memref<!tpu.dma_semaphore, #tpu.memory_space<semaphore_mem>>) src(%dma_wait3A_6 : memref<6656x768xf32, #tpu.memory_space<hbm>>) dst(%arg6 : memref<64x768xf32, #tpu.memory_space<vmem>>)
    "tpu.region"() ({
      %run_scoped3A = tpu.sem_alloc : memref<!tpu.dma_semaphore, #tpu.memory_space<semaphore_mem>>
      %dma_start3A_7 = arith.constant 0 : i32
      %dma_start3A_8 = tpu.memref_slice %arg4[%mul3A_2, %dma_start3A_7] : memref<2048x768xf32, #tpu.memory_space<hbm>> -> memref<64x768xf32, #tpu.memory_space<hbm>>
      %dma_start3A_9 = arith.constant 0 : i32
      %dma_start3A_10 = tpu.memref_slice %arg4[%mul3A_2, %dma_start3A_9] : memref<2048x768xf32, #tpu.memory_space<hbm>> -> memref<64x768xf32, #tpu.memory_space<hbm>>
      tpu.enqueue_dma source(%arg6 : memref<64x768xf32, #tpu.memory_space<vmem>>) target(%dma_start3A_10 : memref<64x768xf32, #tpu.memory_space<hbm>>) target_semaphore(%run_scoped3A : memref<!tpu.dma_semaphore, #tpu.memory_space<semaphore_mem>>)
      %dma_wait3A_11 = arith.constant 0 : i32
      %dma_wait3A_12 = tpu.memref_slice %arg4[%mul3A_2, %dma_wait3A_11] : memref<2048x768xf32, #tpu.memory_space<hbm>> -> memref<64x768xf32, #tpu.memory_space<hbm>>
      %dma_wait3A_13 = arith.constant 0 : i32
      %dma_wait3A_14 = tpu.memref_slice %arg4[%mul3A_2, %dma_wait3A_13] : memref<2048x768xf32, #tpu.memory_space<hbm>> -> memref<64x768xf32, #tpu.memory_space<hbm>>
      tpu.wait_dma2 semaphore(%run_scoped3A : memref<!tpu.dma_semaphore, #tpu.memory_space<semaphore_mem>>) src(%arg6 : memref<64x768xf32, #tpu.memory_space<vmem>>) dst(%dma_wait3A_14 : memref<64x768xf32, #tpu.memory_space<hbm>>)
      tpu.yield
    }) : () -> ()
    return
  }
}

#map = affine_map<(d0, d1) -> (0, 0)>
#map1 = affine_map<(d0, d1) -> (0)>
module attributes {stable_mosaic.version = 14 : i64} {
  func.func @dispatch(%arg0: i32, %arg1: i32, %arg2: memref<2048x768xf32, #tpu.memory_space<hbm>>, %arg3: memref<2048xi32, #tpu.memory_space<hbm>>, %arg4: memref<2048x128xf32, #tpu.memory_space<hbm>>, %arg5: memref<6144x768xf32, #tpu.memory_space<hbm>>, %arg6: memref<6144x128xf32, #tpu.memory_space<hbm>>, %arg7: memref<64xi32, #tpu.memory_space<vmem>>, %arg8: memref<64x768xf32, #tpu.memory_space<vmem>>, %arg9: memref<64x128xf32, #tpu.memory_space<vmem>>, %arg10: memref<!tpu.dma_semaphore, #tpu.memory_space<semaphore_mem>>, %arg11: memref<!tpu.dma_semaphore, #tpu.memory_space<semaphore_mem>>) attributes {dimension_semantics = [#tpu.dimension_semantics<core_parallel>, #tpu.dimension_semantics<subcore_parallel>], iteration_bounds = array<i64: 2, 16>, scalar_prefetch = 0 : i64, scratch_operands = 5 : i64, tpu.core_type = #tpu.core_type<sc_vector_subcore>, window_params = [{transform_indices = #map}, {transform_indices = #map1}, {transform_indices = #map}, {transform_indices = #map}, {transform_indices = #map}]} {
    %mul3A = arith.constant 2 : i32
    %mul3A_0 = arith.muli %arg1, %mul3A : i32
    %add3A = arith.addi %mul3A_0, %arg0 : i32
    %mul3A_1 = arith.constant 64 : i32
    %mul3A_2 = arith.muli %add3A, %mul3A_1 : i32
    "tpu.region"() ({
      %run_scoped3A = tpu.sem_alloc : memref<!tpu.dma_semaphore, #tpu.memory_space<semaphore_mem>>
      %dma_start3A_13 = tpu.memref_slice %arg3[%mul3A_2] : memref<2048xi32, #tpu.memory_space<hbm>> -> memref<64xi32, #tpu.memory_space<hbm>>
      %dma_start3A_14 = tpu.memref_slice %arg3[%mul3A_2] : memref<2048xi32, #tpu.memory_space<hbm>> -> memref<64xi32, #tpu.memory_space<hbm>>
      tpu.enqueue_dma source(%dma_start3A_14 : memref<64xi32, #tpu.memory_space<hbm>>) target(%arg7 : memref<64xi32, #tpu.memory_space<vmem>>) target_semaphore(%run_scoped3A : memref<!tpu.dma_semaphore, #tpu.memory_space<semaphore_mem>>)
      %dma_wait3A_15 = tpu.memref_slice %arg3[%mul3A_2] : memref<2048xi32, #tpu.memory_space<hbm>> -> memref<64xi32, #tpu.memory_space<hbm>>
      %dma_wait3A_16 = tpu.memref_slice %arg3[%mul3A_2] : memref<2048xi32, #tpu.memory_space<hbm>> -> memref<64xi32, #tpu.memory_space<hbm>>
      tpu.wait_dma2 semaphore(%run_scoped3A : memref<!tpu.dma_semaphore, #tpu.memory_space<semaphore_mem>>) src(%dma_wait3A_16 : memref<64xi32, #tpu.memory_space<hbm>>) dst(%arg7 : memref<64xi32, #tpu.memory_space<vmem>>)
      tpu.yield
    }) : () -> ()
    "tpu.region"() ({
      %run_scoped3A = tpu.sem_alloc : memref<!tpu.dma_semaphore, #tpu.memory_space<semaphore_mem>>
      %dma_start3A_13 = arith.constant 0 : i32
      %dma_start3A_14 = tpu.memref_slice %arg2[%mul3A_2, %dma_start3A_13] : memref<2048x768xf32, #tpu.memory_space<hbm>> -> memref<64x768xf32, #tpu.memory_space<hbm>>
      %dma_start3A_15 = arith.constant 0 : i32
      %dma_start3A_16 = tpu.memref_slice %arg2[%mul3A_2, %dma_start3A_15] : memref<2048x768xf32, #tpu.memory_space<hbm>> -> memref<64x768xf32, #tpu.memory_space<hbm>>
      tpu.enqueue_dma source(%dma_start3A_16 : memref<64x768xf32, #tpu.memory_space<hbm>>) target(%arg8 : memref<64x768xf32, #tpu.memory_space<vmem>>) target_semaphore(%run_scoped3A : memref<!tpu.dma_semaphore, #tpu.memory_space<semaphore_mem>>)
      %dma_wait3A_17 = arith.constant 0 : i32
      %dma_wait3A_18 = tpu.memref_slice %arg2[%mul3A_2, %dma_wait3A_17] : memref<2048x768xf32, #tpu.memory_space<hbm>> -> memref<64x768xf32, #tpu.memory_space<hbm>>
      %dma_wait3A_19 = arith.constant 0 : i32
      %dma_wait3A_20 = tpu.memref_slice %arg2[%mul3A_2, %dma_wait3A_19] : memref<2048x768xf32, #tpu.memory_space<hbm>> -> memref<64x768xf32, #tpu.memory_space<hbm>>
      tpu.wait_dma2 semaphore(%run_scoped3A : memref<!tpu.dma_semaphore, #tpu.memory_space<semaphore_mem>>) src(%dma_wait3A_20 : memref<64x768xf32, #tpu.memory_space<hbm>>) dst(%arg8 : memref<64x768xf32, #tpu.memory_space<vmem>>)
      tpu.yield
    }) : () -> ()
    "tpu.region"() ({
      %run_scoped3A = tpu.sem_alloc : memref<!tpu.dma_semaphore, #tpu.memory_space<semaphore_mem>>
      %dma_start3A_13 = arith.constant 0 : i32
      %dma_start3A_14 = tpu.memref_slice %arg4[%mul3A_2, %dma_start3A_13] : memref<2048x128xf32, #tpu.memory_space<hbm>> -> memref<64x128xf32, #tpu.memory_space<hbm>>
      %dma_start3A_15 = arith.constant 0 : i32
      %dma_start3A_16 = tpu.memref_slice %arg4[%mul3A_2, %dma_start3A_15] : memref<2048x128xf32, #tpu.memory_space<hbm>> -> memref<64x128xf32, #tpu.memory_space<hbm>>
      tpu.enqueue_dma source(%dma_start3A_16 : memref<64x128xf32, #tpu.memory_space<hbm>>) target(%arg9 : memref<64x128xf32, #tpu.memory_space<vmem>>) target_semaphore(%run_scoped3A : memref<!tpu.dma_semaphore, #tpu.memory_space<semaphore_mem>>)
      %dma_wait3A_17 = arith.constant 0 : i32
      %dma_wait3A_18 = tpu.memref_slice %arg4[%mul3A_2, %dma_wait3A_17] : memref<2048x128xf32, #tpu.memory_space<hbm>> -> memref<64x128xf32, #tpu.memory_space<hbm>>
      %dma_wait3A_19 = arith.constant 0 : i32
      %dma_wait3A_20 = tpu.memref_slice %arg4[%mul3A_2, %dma_wait3A_19] : memref<2048x128xf32, #tpu.memory_space<hbm>> -> memref<64x128xf32, #tpu.memory_space<hbm>>
      tpu.wait_dma2 semaphore(%run_scoped3A : memref<!tpu.dma_semaphore, #tpu.memory_space<semaphore_mem>>) src(%dma_wait3A_20 : memref<64x128xf32, #tpu.memory_space<hbm>>) dst(%arg9 : memref<64x128xf32, #tpu.memory_space<vmem>>)
      tpu.yield
    }) : () -> ()
    %dma_start3A = arith.constant 0 : i32
    %dma_start3A_3 = arith.constant 0 : i32
    %dma_start3A_4 = tpu.memref_slice %arg5[%dma_start3A, %dma_start3A_3] : memref<6144x768xf32, #tpu.memory_space<hbm>> -> memref<6144x768xf32, #tpu.memory_space<hbm>>
    tpu.enqueue_indirect_dma source(%arg8 : memref<64x768xf32, #tpu.memory_space<vmem>>) target(%dma_start3A_4 : memref<6144x768xf32, #tpu.memory_space<hbm>>) offsets(%arg7 : memref<64xi32, #tpu.memory_space<vmem>>) semaphore(%arg10 : memref<!tpu.dma_semaphore, #tpu.memory_space<semaphore_mem>>)
    %dma_start3A_5 = arith.constant 0 : i32
    %dma_start3A_6 = arith.constant 0 : i32
    %dma_start3A_7 = tpu.memref_slice %arg6[%dma_start3A_5, %dma_start3A_6] : memref<6144x128xf32, #tpu.memory_space<hbm>> -> memref<6144x128xf32, #tpu.memory_space<hbm>>
    tpu.enqueue_indirect_dma source(%arg9 : memref<64x128xf32, #tpu.memory_space<vmem>>) target(%dma_start3A_7 : memref<6144x128xf32, #tpu.memory_space<hbm>>) offsets(%arg7 : memref<64xi32, #tpu.memory_space<vmem>>) semaphore(%arg11 : memref<!tpu.dma_semaphore, #tpu.memory_space<semaphore_mem>>)
    %dma_wait3A = arith.constant 0 : i32
    %dma_wait3A_8 = arith.constant 0 : i32
    %dma_wait3A_9 = tpu.memref_slice %arg5[%dma_wait3A, %dma_wait3A_8] : memref<6144x768xf32, #tpu.memory_space<hbm>> -> memref<6144x768xf32, #tpu.memory_space<hbm>>
    tpu.wait_indirect_dma semaphore(%arg10 : memref<!tpu.dma_semaphore, #tpu.memory_space<semaphore_mem>>) src(%arg8 : memref<64x768xf32, #tpu.memory_space<vmem>>) dst(%dma_wait3A_9 : memref<6144x768xf32, #tpu.memory_space<hbm>>)
    %dma_wait3A_10 = arith.constant 0 : i32
    %dma_wait3A_11 = arith.constant 0 : i32
    %dma_wait3A_12 = tpu.memref_slice %arg6[%dma_wait3A_10, %dma_wait3A_11] : memref<6144x128xf32, #tpu.memory_space<hbm>> -> memref<6144x128xf32, #tpu.memory_space<hbm>>
    tpu.wait_indirect_dma semaphore(%arg11 : memref<!tpu.dma_semaphore, #tpu.memory_space<semaphore_mem>>) src(%arg9 : memref<64x128xf32, #tpu.memory_space<vmem>>) dst(%dma_wait3A_12 : memref<6144x128xf32, #tpu.memory_space<hbm>>)
    return
  }
}

module attributes {stable_mosaic.version = 14 : i64} {
  func.func @_router_body(%arg0: memref<2048x768xf32, #tpu.memory_space<vmem>>, %arg1: memref<768x8xf32, #tpu.memory_space<vmem>>, %arg2: memref<1x8xf32, #tpu.memory_space<vmem>>, %arg3: memref<2048x1xi32, #tpu.memory_space<vmem>>, %arg4: memref<2048x128xf32, #tpu.memory_space<vmem>>, %arg5: memref<12x1xi32, #tpu.memory_space<vmem>>, %arg6: memref<12x1xi32, #tpu.memory_space<vmem>>, %arg7: memref<1x1xf32, #tpu.memory_space<vmem>>) attributes {dimension_semantics = [], scalar_prefetch = 0 : i64, scratch_operands = 0 : i64, tpu.core_type = #tpu.core_type<tc>} {
    %get3A = arith.constant 0 : index
    %get3A_0 = arith.constant 0 : index
    %get3A_1 = vector.load %arg0[%get3A, %get3A_0] : memref<2048x768xf32, #tpu.memory_space<vmem>>, vector<2048x768xf32>
    %get3A_2 = arith.constant 0 : index
    %get3A_3 = arith.constant 0 : index
    %get3A_4 = vector.load %arg1[%get3A_2, %get3A_3] : memref<768x8xf32, #tpu.memory_space<vmem>>, vector<768x8xf32>
    %get3A_5 = arith.constant 0 : index
    %get3A_6 = arith.constant 0 : index
    %get3A_7 = vector.load %arg2[%get3A_5, %get3A_6] : memref<1x8xf32, #tpu.memory_space<vmem>>, vector<1x8xf32>
    %dot_general3A = arith.constant dense<0.000000e+00> : vector<2048x8xf32>
    %dot_general3A_8 = tpu.matmul %get3A_1, %get3A_4, %dot_general3A {dimension_numbers = #tpu.dot_dimension_numbers<[1], [0], [0], [1], [0, 0, 1, 1], [], []>, transpose_lhs_hint = false} : vector<2048x768xf32>, vector<768x8xf32>, vector<2048x8xf32> -> vector<2048x8xf32>
    %add3A = vector.broadcast %get3A_7 : vector<1x8xf32> to vector<2048x8xf32>
    %add3A_9 = arith.addf %dot_general3A_8, %add3A : vector<2048x8xf32>
    %reduce_max3A = arith.constant dense<0xFF800000> : vector<2048xf32>
    %reduce_max3A_10 = vector.multi_reduction <maximumf>, %add3A_9, %reduce_max3A [1] : vector<2048x8xf32> to vector<2048xf32>
    %broadcast_in_dim3A = vector.shape_cast %reduce_max3A_10 : vector<2048xf32> to vector<2048x1xf32>
    %sub3A = vector.broadcast %broadcast_in_dim3A : vector<2048x1xf32> to vector<2048x8xf32>
    %sub3A_11 = arith.subf %add3A_9, %sub3A : vector<2048x8xf32>
    %exp3A = math.exp %sub3A_11 : vector<2048x8xf32>
    %reduce_sum3A = arith.constant dense<0.000000e+00> : vector<2048xf32>
    %reduce_sum3A_12 = vector.multi_reduction <add>, %exp3A, %reduce_sum3A [1] : vector<2048x8xf32> to vector<2048xf32>
    %broadcast_in_dim3A_13 = vector.shape_cast %reduce_sum3A_12 : vector<2048xf32> to vector<2048x1xf32>
    %div3A = vector.broadcast %broadcast_in_dim3A_13 : vector<2048x1xf32> to vector<2048x8xf32>
    %div3A_14 = arith.divf %exp3A, %div3A : vector<2048x8xf32>
    %reduce_max3A_15 = arith.constant dense<0xFF800000> : vector<2048xf32>
    %reduce_max3A_16 = vector.multi_reduction <maximumf>, %div3A_14, %reduce_max3A_15 [1] : vector<2048x8xf32> to vector<2048xf32>
    %broadcast_in_dim3A_17 = vector.shape_cast %reduce_max3A_16 : vector<2048xf32> to vector<2048x1xf32>
    %iota3A = tpu.iota {dimensions = array<i32: 1>} : vector<2048x8xi32>
    %ge3A = vector.broadcast %broadcast_in_dim3A_17 : vector<2048x1xf32> to vector<2048x8xf32>
    %ge3A_18 = arith.cmpf oge, %div3A_14, %ge3A : vector<2048x8xf32>
    %jit3A = arith.constant 8 : i32
    %broadcast_in_dim3A_19 = vector.broadcast %jit3A : i32 to vector<2048x8xi32>
    %select_n3A = arith.select %ge3A_18, %iota3A, %broadcast_in_dim3A_19 : vector<2048x8xi1>, vector<2048x8xi32>
    %reduce_min3A = arith.constant dense<2147483647> : vector<2048xi32>
    %reduce_min3A_20 = vector.multi_reduction <minsi>, %select_n3A, %reduce_min3A [1] : vector<2048x8xi32> to vector<2048xi32>
    %broadcast_in_dim3A_21 = vector.shape_cast %reduce_min3A_20 : vector<2048xi32> to vector<2048x1xi32>
    %eq3A = vector.broadcast %broadcast_in_dim3A_21 : vector<2048x1xi32> to vector<2048x8xi32>
    %eq3A_22 = arith.cmpi eq, %eq3A, %iota3A : vector<2048x8xi32>
    %convert_element_type3A = arith.extui %eq3A_22 : vector<2048x8xi1> to vector<2048x8xi32>
    %convert_element_type3A_23 = arith.sitofp %convert_element_type3A : vector<2048x8xi32> to vector<2048x8xf32>
    %reduce_sum3A_24 = arith.constant dense<0.000000e+00> : vector<8xf32>
    %reduce_sum3A_25 = vector.multi_reduction <add>, %convert_element_type3A_23, %reduce_sum3A_24 [0] : vector<2048x8xf32> to vector<8xf32>
    %broadcast_in_dim3A_26 = vector.shape_cast %reduce_sum3A_25 : vector<8xf32> to vector<1x8xf32>
    %reduce_sum3A_27 = arith.constant dense<0.000000e+00> : vector<8xf32>
    %reduce_sum3A_28 = vector.multi_reduction <add>, %div3A_14, %reduce_sum3A_27 [0] : vector<2048x8xf32> to vector<8xf32>
    %broadcast_in_dim3A_29 = vector.shape_cast %reduce_sum3A_28 : vector<8xf32> to vector<1x8xf32>
    %mul3A = arith.constant 4.8828125E-4 : f32
    %mul3A_30 = vector.broadcast %mul3A : f32 to vector<1x8xf32>
    %mul3A_31 = arith.mulf %broadcast_in_dim3A_29, %mul3A_30 : vector<1x8xf32>
    %mul3A_32 = arith.mulf %mul3A_31, %broadcast_in_dim3A_26 : vector<1x8xf32>
    %mul3A_33 = arith.constant 4.8828125E-4 : f32
    %mul3A_34 = vector.broadcast %mul3A_33 : f32 to vector<1x8xf32>
    %mul3A_35 = arith.mulf %mul3A_32, %mul3A_34 : vector<1x8xf32>
    %reduce_sum3A_36 = arith.constant dense<0.000000e+00> : vector<1xf32>
    %reduce_sum3A_37 = vector.multi_reduction <add>, %mul3A_35, %reduce_sum3A_36 [1] : vector<1x8xf32> to vector<1xf32>
    %broadcast_in_dim3A_38 = vector.shape_cast %reduce_sum3A_37 : vector<1xf32> to vector<1x1xf32>
    %mul3A_39 = arith.constant 8.000000e-02 : f32
    %mul3A_40 = vector.broadcast %mul3A_39 : f32 to vector<1x1xf32>
    %mul3A_41 = arith.mulf %mul3A_40, %broadcast_in_dim3A_38 : vector<1x1xf32>
    %swap3A = arith.constant 0 : index
    %swap3A_42 = arith.constant 0 : index
    %swap3A_43 = vector.load %arg7[%swap3A, %swap3A_42] : memref<1x1xf32, #tpu.memory_space<vmem>>, vector<1x1xf32>
    tpu.vector_store %arg7[%swap3A, %swap3A_42], %mul3A_41 {strides = array<i32>} : memref<1x1xf32, #tpu.memory_space<vmem>>, vector<1x1xf32>,
    %iota3A_44 = tpu.iota {dimensions = array<i32: 0>} : vector<128x128xi32>
    %iota3A_45 = tpu.iota {dimensions = array<i32: 1>} : vector<128x128xi32>
    %ge3A_46 = arith.cmpi sge, %iota3A_44, %iota3A_45 : vector<128x128xi32>
    %convert_element_type3A_47 = arith.extui %ge3A_46 : vector<128x128xi1> to vector<128x128xi32>
    %convert_element_type3A_48 = arith.sitofp %convert_element_type3A_47 : vector<128x128xi32> to vector<128x128xf32>
    %broadcast_in_dim3A_49 = arith.constant 0.000000e+00 : f32
    %broadcast_in_dim3A_50 = vector.broadcast %broadcast_in_dim3A_49 : f32 to vector<1x8xf32>
    %slice3A = vector.extract_strided_slice %convert_element_type3A_23 {offsets = [0, 0], sizes = [128, 8], strides = [1, 1]} : vector<2048x8xf32> to vector<128x8xf32>
    %dot_general3A_51 = arith.constant dense<0.000000e+00> : vector<128x8xf32>
    %dot_general3A_52 = tpu.matmul %convert_element_type3A_48, %slice3A, %dot_general3A_51 {dimension_numbers = #tpu.dot_dimension_numbers<[1], [0], [0], [1], [0, 0, 1, 1], [], []>, transpose_lhs_hint = false} : vector<128x128xf32>, vector<128x8xf32>, vector<128x8xf32> -> vector<128x8xf32>
    %sub3A_53 = arith.subf %dot_general3A_52, %slice3A : vector<128x8xf32>
    %add3A_54 = vector.broadcast %broadcast_in_dim3A_50 : vector<1x8xf32> to vector<128x8xf32>
    %add3A_55 = arith.addf %sub3A_53, %add3A_54 : vector<128x8xf32>
    %mul3A_56 = arith.mulf %add3A_55, %slice3A : vector<128x8xf32>
    %reduce_sum3A_57 = arith.constant dense<0.000000e+00> : vector<128xf32>
    %reduce_sum3A_58 = vector.multi_reduction <add>, %mul3A_56, %reduce_sum3A_57 [1] : vector<128x8xf32> to vector<128xf32>
    %broadcast_in_dim3A_59 = vector.shape_cast %reduce_sum3A_58 : vector<128xf32> to vector<128x1xf32>
    %reduce_sum3A_60 = arith.constant dense<0.000000e+00> : vector<8xf32>
    %reduce_sum3A_61 = vector.multi_reduction <add>, %slice3A, %reduce_sum3A_60 [0] : vector<128x8xf32> to vector<8xf32>
    %broadcast_in_dim3A_62 = vector.shape_cast %reduce_sum3A_61 : vector<8xf32> to vector<1x8xf32>
    %add3A_63 = arith.addf %broadcast_in_dim3A_50, %broadcast_in_dim3A_62 : vector<1x8xf32>
    %slice3A_64 = vector.extract_strided_slice %convert_element_type3A_23 {offsets = [128, 0], sizes = [128, 8], strides = [1, 1]} : vector<2048x8xf32> to vector<128x8xf32>
    %dot_general3A_65 = arith.constant dense<0.000000e+00> : vector<128x8xf32>
    %dot_general3A_66 = tpu.matmul %convert_element_type3A_48, %slice3A_64, %dot_general3A_65 {dimension_numbers = #tpu.dot_dimension_numbers<[1], [0], [0], [1], [0, 0, 1, 1], [], []>, transpose_lhs_hint = false} : vector<128x128xf32>, vector<128x8xf32>, vector<128x8xf32> -> vector<128x8xf32>
    %sub3A_67 = arith.subf %dot_general3A_66, %slice3A_64 : vector<128x8xf32>
    %add3A_68 = vector.broadcast %add3A_63 : vector<1x8xf32> to vector<128x8xf32>
    %add3A_69 = arith.addf %sub3A_67, %add3A_68 : vector<128x8xf32>
    %mul3A_70 = arith.mulf %add3A_69, %slice3A_64 : vector<128x8xf32>
    %reduce_sum3A_71 = arith.constant dense<0.000000e+00> : vector<128xf32>
    %reduce_sum3A_72 = vector.multi_reduction <add>, %mul3A_70, %reduce_sum3A_71 [1] : vector<128x8xf32> to vector<128xf32>
    %broadcast_in_dim3A_73 = vector.shape_cast %reduce_sum3A_72 : vector<128xf32> to vector<128x1xf32>
    %reduce_sum3A_74 = arith.constant dense<0.000000e+00> : vector<8xf32>
    %reduce_sum3A_75 = vector.multi_reduction <add>, %slice3A_64, %reduce_sum3A_74 [0] : vector<128x8xf32> to vector<8xf32>
    %broadcast_in_dim3A_76 = vector.shape_cast %reduce_sum3A_75 : vector<8xf32> to vector<1x8xf32>
    %add3A_77 = arith.addf %add3A_63, %broadcast_in_dim3A_76 : vector<1x8xf32>
    %slice3A_78 = vector.extract_strided_slice %convert_element_type3A_23 {offsets = [256, 0], sizes = [128, 8], strides = [1, 1]} : vector<2048x8xf32> to vector<128x8xf32>
    %dot_general3A_79 = arith.constant dense<0.000000e+00> : vector<128x8xf32>
    %dot_general3A_80 = tpu.matmul %convert_element_type3A_48, %slice3A_78, %dot_general3A_79 {dimension_numbers = #tpu.dot_dimension_numbers<[1], [0], [0], [1], [0, 0, 1, 1], [], []>, transpose_lhs_hint = false} : vector<128x128xf32>, vector<128x8xf32>, vector<128x8xf32> -> vector<128x8xf32>
    %sub3A_81 = arith.subf %dot_general3A_80, %slice3A_78 : vector<128x8xf32>
    %add3A_82 = vector.broadcast %add3A_77 : vector<1x8xf32> to vector<128x8xf32>
    %add3A_83 = arith.addf %sub3A_81, %add3A_82 : vector<128x8xf32>
    %mul3A_84 = arith.mulf %add3A_83, %slice3A_78 : vector<128x8xf32>
    %reduce_sum3A_85 = arith.constant dense<0.000000e+00> : vector<128xf32>
    %reduce_sum3A_86 = vector.multi_reduction <add>, %mul3A_84, %reduce_sum3A_85 [1] : vector<128x8xf32> to vector<128xf32>
    %broadcast_in_dim3A_87 = vector.shape_cast %reduce_sum3A_86 : vector<128xf32> to vector<128x1xf32>
    %reduce_sum3A_88 = arith.constant dense<0.000000e+00> : vector<8xf32>
    %reduce_sum3A_89 = vector.multi_reduction <add>, %slice3A_78, %reduce_sum3A_88 [0] : vector<128x8xf32> to vector<8xf32>
    %broadcast_in_dim3A_90 = vector.shape_cast %reduce_sum3A_89 : vector<8xf32> to vector<1x8xf32>
    %add3A_91 = arith.addf %add3A_77, %broadcast_in_dim3A_90 : vector<1x8xf32>
    %slice3A_92 = vector.extract_strided_slice %convert_element_type3A_23 {offsets = [384, 0], sizes = [128, 8], strides = [1, 1]} : vector<2048x8xf32> to vector<128x8xf32>
    %dot_general3A_93 = arith.constant dense<0.000000e+00> : vector<128x8xf32>
    %dot_general3A_94 = tpu.matmul %convert_element_type3A_48, %slice3A_92, %dot_general3A_93 {dimension_numbers = #tpu.dot_dimension_numbers<[1], [0], [0], [1], [0, 0, 1, 1], [], []>, transpose_lhs_hint = false} : vector<128x128xf32>, vector<128x8xf32>, vector<128x8xf32> -> vector<128x8xf32>
    %sub3A_95 = arith.subf %dot_general3A_94, %slice3A_92 : vector<128x8xf32>
    %add3A_96 = vector.broadcast %add3A_91 : vector<1x8xf32> to vector<128x8xf32>
    %add3A_97 = arith.addf %sub3A_95, %add3A_96 : vector<128x8xf32>
    %mul3A_98 = arith.mulf %add3A_97, %slice3A_92 : vector<128x8xf32>
    %reduce_sum3A_99 = arith.constant dense<0.000000e+00> : vector<128xf32>
    %reduce_sum3A_100 = vector.multi_reduction <add>, %mul3A_98, %reduce_sum3A_99 [1] : vector<128x8xf32> to vector<128xf32>
    %broadcast_in_dim3A_101 = vector.shape_cast %reduce_sum3A_100 : vector<128xf32> to vector<128x1xf32>
    %reduce_sum3A_102 = arith.constant dense<0.000000e+00> : vector<8xf32>
    %reduce_sum3A_103 = vector.multi_reduction <add>, %slice3A_92, %reduce_sum3A_102 [0] : vector<128x8xf32> to vector<8xf32>
    %broadcast_in_dim3A_104 = vector.shape_cast %reduce_sum3A_103 : vector<8xf32> to vector<1x8xf32>
    %add3A_105 = arith.addf %add3A_91, %broadcast_in_dim3A_104 : vector<1x8xf32>
    %slice3A_106 = vector.extract_strided_slice %convert_element_type3A_23 {offsets = [512, 0], sizes = [128, 8], strides = [1, 1]} : vector<2048x8xf32> to vector<128x8xf32>
    %dot_general3A_107 = arith.constant dense<0.000000e+00> : vector<128x8xf32>
    %dot_general3A_108 = tpu.matmul %convert_element_type3A_48, %slice3A_106, %dot_general3A_107 {dimension_numbers = #tpu.dot_dimension_numbers<[1], [0], [0], [1], [0, 0, 1, 1], [], []>, transpose_lhs_hint = false} : vector<128x128xf32>, vector<128x8xf32>, vector<128x8xf32> -> vector<128x8xf32>
    %sub3A_109 = arith.subf %dot_general3A_108, %slice3A_106 : vector<128x8xf32>
    %add3A_110 = vector.broadcast %add3A_105 : vector<1x8xf32> to vector<128x8xf32>
    %add3A_111 = arith.addf %sub3A_109, %add3A_110 : vector<128x8xf32>
    %mul3A_112 = arith.mulf %add3A_111, %slice3A_106 : vector<128x8xf32>
    %reduce_sum3A_113 = arith.constant dense<0.000000e+00> : vector<128xf32>
    %reduce_sum3A_114 = vector.multi_reduction <add>, %mul3A_112, %reduce_sum3A_113 [1] : vector<128x8xf32> to vector<128xf32>
    %broadcast_in_dim3A_115 = vector.shape_cast %reduce_sum3A_114 : vector<128xf32> to vector<128x1xf32>
    %reduce_sum3A_116 = arith.constant dense<0.000000e+00> : vector<8xf32>
    %reduce_sum3A_117 = vector.multi_reduction <add>, %slice3A_106, %reduce_sum3A_116 [0] : vector<128x8xf32> to vector<8xf32>
    %broadcast_in_dim3A_118 = vector.shape_cast %reduce_sum3A_117 : vector<8xf32> to vector<1x8xf32>
    %add3A_119 = arith.addf %add3A_105, %broadcast_in_dim3A_118 : vector<1x8xf32>
    %slice3A_120 = vector.extract_strided_slice %convert_element_type3A_23 {offsets = [640, 0], sizes = [128, 8], strides = [1, 1]} : vector<2048x8xf32> to vector<128x8xf32>
    %dot_general3A_121 = arith.constant dense<0.000000e+00> : vector<128x8xf32>
    %dot_general3A_122 = tpu.matmul %convert_element_type3A_48, %slice3A_120, %dot_general3A_121 {dimension_numbers = #tpu.dot_dimension_numbers<[1], [0], [0], [1], [0, 0, 1, 1], [], []>, transpose_lhs_hint = false} : vector<128x128xf32>, vector<128x8xf32>, vector<128x8xf32> -> vector<128x8xf32>
    %sub3A_123 = arith.subf %dot_general3A_122, %slice3A_120 : vector<128x8xf32>
    %add3A_124 = vector.broadcast %add3A_119 : vector<1x8xf32> to vector<128x8xf32>
    %add3A_125 = arith.addf %sub3A_123, %add3A_124 : vector<128x8xf32>
    %mul3A_126 = arith.mulf %add3A_125, %slice3A_120 : vector<128x8xf32>
    %reduce_sum3A_127 = arith.constant dense<0.000000e+00> : vector<128xf32>
    %reduce_sum3A_128 = vector.multi_reduction <add>, %mul3A_126, %reduce_sum3A_127 [1] : vector<128x8xf32> to vector<128xf32>
    %broadcast_in_dim3A_129 = vector.shape_cast %reduce_sum3A_128 : vector<128xf32> to vector<128x1xf32>
    %reduce_sum3A_130 = arith.constant dense<0.000000e+00> : vector<8xf32>
    %reduce_sum3A_131 = vector.multi_reduction <add>, %slice3A_120, %reduce_sum3A_130 [0] : vector<128x8xf32> to vector<8xf32>
    %broadcast_in_dim3A_132 = vector.shape_cast %reduce_sum3A_131 : vector<8xf32> to vector<1x8xf32>
    %add3A_133 = arith.addf %add3A_119, %broadcast_in_dim3A_132 : vector<1x8xf32>
    %slice3A_134 = vector.extract_strided_slice %convert_element_type3A_23 {offsets = [768, 0], sizes = [128, 8], strides = [1, 1]} : vector<2048x8xf32> to vector<128x8xf32>
    %dot_general3A_135 = arith.constant dense<0.000000e+00> : vector<128x8xf32>
    %dot_general3A_136 = tpu.matmul %convert_element_type3A_48, %slice3A_134, %dot_general3A_135 {dimension_numbers = #tpu.dot_dimension_numbers<[1], [0], [0], [1], [0, 0, 1, 1], [], []>, transpose_lhs_hint = false} : vector<128x128xf32>, vector<128x8xf32>, vector<128x8xf32> -> vector<128x8xf32>
    %sub3A_137 = arith.subf %dot_general3A_136, %slice3A_134 : vector<128x8xf32>
    %add3A_138 = vector.broadcast %add3A_133 : vector<1x8xf32> to vector<128x8xf32>
    %add3A_139 = arith.addf %sub3A_137, %add3A_138 : vector<128x8xf32>
    %mul3A_140 = arith.mulf %add3A_139, %slice3A_134 : vector<128x8xf32>
    %reduce_sum3A_141 = arith.constant dense<0.000000e+00> : vector<128xf32>
    %reduce_sum3A_142 = vector.multi_reduction <add>, %mul3A_140, %reduce_sum3A_141 [1] : vector<128x8xf32> to vector<128xf32>
    %broadcast_in_dim3A_143 = vector.shape_cast %reduce_sum3A_142 : vector<128xf32> to vector<128x1xf32>
    %reduce_sum3A_144 = arith.constant dense<0.000000e+00> : vector<8xf32>
    %reduce_sum3A_145 = vector.multi_reduction <add>, %slice3A_134, %reduce_sum3A_144 [0] : vector<128x8xf32> to vector<8xf32>
    %broadcast_in_dim3A_146 = vector.shape_cast %reduce_sum3A_145 : vector<8xf32> to vector<1x8xf32>
    %add3A_147 = arith.addf %add3A_133, %broadcast_in_dim3A_146 : vector<1x8xf32>
    %slice3A_148 = vector.extract_strided_slice %convert_element_type3A_23 {offsets = [896, 0], sizes = [128, 8], strides = [1, 1]} : vector<2048x8xf32> to vector<128x8xf32>
    %dot_general3A_149 = arith.constant dense<0.000000e+00> : vector<128x8xf32>
    %dot_general3A_150 = tpu.matmul %convert_element_type3A_48, %slice3A_148, %dot_general3A_149 {dimension_numbers = #tpu.dot_dimension_numbers<[1], [0], [0], [1], [0, 0, 1, 1], [], []>, transpose_lhs_hint = false} : vector<128x128xf32>, vector<128x8xf32>, vector<128x8xf32> -> vector<128x8xf32>
    %sub3A_151 = arith.subf %dot_general3A_150, %slice3A_148 : vector<128x8xf32>
    %add3A_152 = vector.broadcast %add3A_147 : vector<1x8xf32> to vector<128x8xf32>
    %add3A_153 = arith.addf %sub3A_151, %add3A_152 : vector<128x8xf32>
    %mul3A_154 = arith.mulf %add3A_153, %slice3A_148 : vector<128x8xf32>
    %reduce_sum3A_155 = arith.constant dense<0.000000e+00> : vector<128xf32>
    %reduce_sum3A_156 = vector.multi_reduction <add>, %mul3A_154, %reduce_sum3A_155 [1] : vector<128x8xf32> to vector<128xf32>
    %broadcast_in_dim3A_157 = vector.shape_cast %reduce_sum3A_156 : vector<128xf32> to vector<128x1xf32>
    %reduce_sum3A_158 = arith.constant dense<0.000000e+00> : vector<8xf32>
    %reduce_sum3A_159 = vector.multi_reduction <add>, %slice3A_148, %reduce_sum3A_158 [0] : vector<128x8xf32> to vector<8xf32>
    %broadcast_in_dim3A_160 = vector.shape_cast %reduce_sum3A_159 : vector<8xf32> to vector<1x8xf32>
    %add3A_161 = arith.addf %add3A_147, %broadcast_in_dim3A_160 : vector<1x8xf32>
    %slice3A_162 = vector.extract_strided_slice %convert_element_type3A_23 {offsets = [1024, 0], sizes = [128, 8], strides = [1, 1]} : vector<2048x8xf32> to vector<128x8xf32>
    %dot_general3A_163 = arith.constant dense<0.000000e+00> : vector<128x8xf32>
    %dot_general3A_164 = tpu.matmul %convert_element_type3A_48, %slice3A_162, %dot_general3A_163 {dimension_numbers = #tpu.dot_dimension_numbers<[1], [0], [0], [1], [0, 0, 1, 1], [], []>, transpose_lhs_hint = false} : vector<128x128xf32>, vector<128x8xf32>, vector<128x8xf32> -> vector<128x8xf32>
    %sub3A_165 = arith.subf %dot_general3A_164, %slice3A_162 : vector<128x8xf32>
    %add3A_166 = vector.broadcast %add3A_161 : vector<1x8xf32> to vector<128x8xf32>
    %add3A_167 = arith.addf %sub3A_165, %add3A_166 : vector<128x8xf32>
    %mul3A_168 = arith.mulf %add3A_167, %slice3A_162 : vector<128x8xf32>
    %reduce_sum3A_169 = arith.constant dense<0.000000e+00> : vector<128xf32>
    %reduce_sum3A_170 = vector.multi_reduction <add>, %mul3A_168, %reduce_sum3A_169 [1] : vector<128x8xf32> to vector<128xf32>
    %broadcast_in_dim3A_171 = vector.shape_cast %reduce_sum3A_170 : vector<128xf32> to vector<128x1xf32>
    %reduce_sum3A_172 = arith.constant dense<0.000000e+00> : vector<8xf32>
    %reduce_sum3A_173 = vector.multi_reduction <add>, %slice3A_162, %reduce_sum3A_172 [0] : vector<128x8xf32> to vector<8xf32>
    %broadcast_in_dim3A_174 = vector.shape_cast %reduce_sum3A_173 : vector<8xf32> to vector<1x8xf32>
    %add3A_175 = arith.addf %add3A_161, %broadcast_in_dim3A_174 : vector<1x8xf32>
    %slice3A_176 = vector.extract_strided_slice %convert_element_type3A_23 {offsets = [1152, 0], sizes = [128, 8], strides = [1, 1]} : vector<2048x8xf32> to vector<128x8xf32>
    %dot_general3A_177 = arith.constant dense<0.000000e+00> : vector<128x8xf32>
    %dot_general3A_178 = tpu.matmul %convert_element_type3A_48, %slice3A_176, %dot_general3A_177 {dimension_numbers = #tpu.dot_dimension_numbers<[1], [0], [0], [1], [0, 0, 1, 1], [], []>, transpose_lhs_hint = false} : vector<128x128xf32>, vector<128x8xf32>, vector<128x8xf32> -> vector<128x8xf32>
    %sub3A_179 = arith.subf %dot_general3A_178, %slice3A_176 : vector<128x8xf32>
    %add3A_180 = vector.broadcast %add3A_175 : vector<1x8xf32> to vector<128x8xf32>
    %add3A_181 = arith.addf %sub3A_179, %add3A_180 : vector<128x8xf32>
    %mul3A_182 = arith.mulf %add3A_181, %slice3A_176 : vector<128x8xf32>
    %reduce_sum3A_183 = arith.constant dense<0.000000e+00> : vector<128xf32>
    %reduce_sum3A_184 = vector.multi_reduction <add>, %mul3A_182, %reduce_sum3A_183 [1] : vector<128x8xf32> to vector<128xf32>
    %broadcast_in_dim3A_185 = vector.shape_cast %reduce_sum3A_184 : vector<128xf32> to vector<128x1xf32>
    %reduce_sum3A_186 = arith.constant dense<0.000000e+00> : vector<8xf32>
    %reduce_sum3A_187 = vector.multi_reduction <add>, %slice3A_176, %reduce_sum3A_186 [0] : vector<128x8xf32> to vector<8xf32>
    %broadcast_in_dim3A_188 = vector.shape_cast %reduce_sum3A_187 : vector<8xf32> to vector<1x8xf32>
    %add3A_189 = arith.addf %add3A_175, %broadcast_in_dim3A_188 : vector<1x8xf32>
    %slice3A_190 = vector.extract_strided_slice %convert_element_type3A_23 {offsets = [1280, 0], sizes = [128, 8], strides = [1, 1]} : vector<2048x8xf32> to vector<128x8xf32>
    %dot_general3A_191 = arith.constant dense<0.000000e+00> : vector<128x8xf32>
    %dot_general3A_192 = tpu.matmul %convert_element_type3A_48, %slice3A_190, %dot_general3A_191 {dimension_numbers = #tpu.dot_dimension_numbers<[1], [0], [0], [1], [0, 0, 1, 1], [], []>, transpose_lhs_hint = false} : vector<128x128xf32>, vector<128x8xf32>, vector<128x8xf32> -> vector<128x8xf32>
    %sub3A_193 = arith.subf %dot_general3A_192, %slice3A_190 : vector<128x8xf32>
    %add3A_194 = vector.broadcast %add3A_189 : vector<1x8xf32> to vector<128x8xf32>
    %add3A_195 = arith.addf %sub3A_193, %add3A_194 : vector<128x8xf32>
    %mul3A_196 = arith.mulf %add3A_195, %slice3A_190 : vector<128x8xf32>
    %reduce_sum3A_197 = arith.constant dense<0.000000e+00> : vector<128xf32>
    %reduce_sum3A_198 = vector.multi_reduction <add>, %mul3A_196, %reduce_sum3A_197 [1] : vector<128x8xf32> to vector<128xf32>
    %broadcast_in_dim3A_199 = vector.shape_cast %reduce_sum3A_198 : vector<128xf32> to vector<128x1xf32>
    %reduce_sum3A_200 = arith.constant dense<0.000000e+00> : vector<8xf32>
    %reduce_sum3A_201 = vector.multi_reduction <add>, %slice3A_190, %reduce_sum3A_200 [0] : vector<128x8xf32> to vector<8xf32>
    %broadcast_in_dim3A_202 = vector.shape_cast %reduce_sum3A_201 : vector<8xf32> to vector<1x8xf32>
    %add3A_203 = arith.addf %add3A_189, %broadcast_in_dim3A_202 : vector<1x8xf32>
    %slice3A_204 = vector.extract_strided_slice %convert_element_type3A_23 {offsets = [1408, 0], sizes = [128, 8], strides = [1, 1]} : vector<2048x8xf32> to vector<128x8xf32>
    %dot_general3A_205 = arith.constant dense<0.000000e+00> : vector<128x8xf32>
    %dot_general3A_206 = tpu.matmul %convert_element_type3A_48, %slice3A_204, %dot_general3A_205 {dimension_numbers = #tpu.dot_dimension_numbers<[1], [0], [0], [1], [0, 0, 1, 1], [], []>, transpose_lhs_hint = false} : vector<128x128xf32>, vector<128x8xf32>, vector<128x8xf32> -> vector<128x8xf32>
    %sub3A_207 = arith.subf %dot_general3A_206, %slice3A_204 : vector<128x8xf32>
    %add3A_208 = vector.broadcast %add3A_203 : vector<1x8xf32> to vector<128x8xf32>
    %add3A_209 = arith.addf %sub3A_207, %add3A_208 : vector<128x8xf32>
    %mul3A_210 = arith.mulf %add3A_209, %slice3A_204 : vector<128x8xf32>
    %reduce_sum3A_211 = arith.constant dense<0.000000e+00> : vector<128xf32>
    %reduce_sum3A_212 = vector.multi_reduction <add>, %mul3A_210, %reduce_sum3A_211 [1] : vector<128x8xf32> to vector<128xf32>
    %broadcast_in_dim3A_213 = vector.shape_cast %reduce_sum3A_212 : vector<128xf32> to vector<128x1xf32>
    %reduce_sum3A_214 = arith.constant dense<0.000000e+00> : vector<8xf32>
    %reduce_sum3A_215 = vector.multi_reduction <add>, %slice3A_204, %reduce_sum3A_214 [0] : vector<128x8xf32> to vector<8xf32>
    %broadcast_in_dim3A_216 = vector.shape_cast %reduce_sum3A_215 : vector<8xf32> to vector<1x8xf32>
    %add3A_217 = arith.addf %add3A_203, %broadcast_in_dim3A_216 : vector<1x8xf32>
    %slice3A_218 = vector.extract_strided_slice %convert_element_type3A_23 {offsets = [1536, 0], sizes = [128, 8], strides = [1, 1]} : vector<2048x8xf32> to vector<128x8xf32>
    %dot_general3A_219 = arith.constant dense<0.000000e+00> : vector<128x8xf32>
    %dot_general3A_220 = tpu.matmul %convert_element_type3A_48, %slice3A_218, %dot_general3A_219 {dimension_numbers = #tpu.dot_dimension_numbers<[1], [0], [0], [1], [0, 0, 1, 1], [], []>, transpose_lhs_hint = false} : vector<128x128xf32>, vector<128x8xf32>, vector<128x8xf32> -> vector<128x8xf32>
    %sub3A_221 = arith.subf %dot_general3A_220, %slice3A_218 : vector<128x8xf32>
    %add3A_222 = vector.broadcast %add3A_217 : vector<1x8xf32> to vector<128x8xf32>
    %add3A_223 = arith.addf %sub3A_221, %add3A_222 : vector<128x8xf32>
    %mul3A_224 = arith.mulf %add3A_223, %slice3A_218 : vector<128x8xf32>
    %reduce_sum3A_225 = arith.constant dense<0.000000e+00> : vector<128xf32>
    %reduce_sum3A_226 = vector.multi_reduction <add>, %mul3A_224, %reduce_sum3A_225 [1] : vector<128x8xf32> to vector<128xf32>
    %broadcast_in_dim3A_227 = vector.shape_cast %reduce_sum3A_226 : vector<128xf32> to vector<128x1xf32>
    %reduce_sum3A_228 = arith.constant dense<0.000000e+00> : vector<8xf32>
    %reduce_sum3A_229 = vector.multi_reduction <add>, %slice3A_218, %reduce_sum3A_228 [0] : vector<128x8xf32> to vector<8xf32>
    %broadcast_in_dim3A_230 = vector.shape_cast %reduce_sum3A_229 : vector<8xf32> to vector<1x8xf32>
    %add3A_231 = arith.addf %add3A_217, %broadcast_in_dim3A_230 : vector<1x8xf32>
    %slice3A_232 = vector.extract_strided_slice %convert_element_type3A_23 {offsets = [1664, 0], sizes = [128, 8], strides = [1, 1]} : vector<2048x8xf32> to vector<128x8xf32>
    %dot_general3A_233 = arith.constant dense<0.000000e+00> : vector<128x8xf32>
    %dot_general3A_234 = tpu.matmul %convert_element_type3A_48, %slice3A_232, %dot_general3A_233 {dimension_numbers = #tpu.dot_dimension_numbers<[1], [0], [0], [1], [0, 0, 1, 1], [], []>, transpose_lhs_hint = false} : vector<128x128xf32>, vector<128x8xf32>, vector<128x8xf32> -> vector<128x8xf32>
    %sub3A_235 = arith.subf %dot_general3A_234, %slice3A_232 : vector<128x8xf32>
    %add3A_236 = vector.broadcast %add3A_231 : vector<1x8xf32> to vector<128x8xf32>
    %add3A_237 = arith.addf %sub3A_235, %add3A_236 : vector<128x8xf32>
    %mul3A_238 = arith.mulf %add3A_237, %slice3A_232 : vector<128x8xf32>
    %reduce_sum3A_239 = arith.constant dense<0.000000e+00> : vector<128xf32>
    %reduce_sum3A_240 = vector.multi_reduction <add>, %mul3A_238, %reduce_sum3A_239 [1] : vector<128x8xf32> to vector<128xf32>
    %broadcast_in_dim3A_241 = vector.shape_cast %reduce_sum3A_240 : vector<128xf32> to vector<128x1xf32>
    %reduce_sum3A_242 = arith.constant dense<0.000000e+00> : vector<8xf32>
    %reduce_sum3A_243 = vector.multi_reduction <add>, %slice3A_232, %reduce_sum3A_242 [0] : vector<128x8xf32> to vector<8xf32>
    %broadcast_in_dim3A_244 = vector.shape_cast %reduce_sum3A_243 : vector<8xf32> to vector<1x8xf32>
    %add3A_245 = arith.addf %add3A_231, %broadcast_in_dim3A_244 : vector<1x8xf32>
    %slice3A_246 = vector.extract_strided_slice %convert_element_type3A_23 {offsets = [1792, 0], sizes = [128, 8], strides = [1, 1]} : vector<2048x8xf32> to vector<128x8xf32>
    %dot_general3A_247 = arith.constant dense<0.000000e+00> : vector<128x8xf32>
    %dot_general3A_248 = tpu.matmul %convert_element_type3A_48, %slice3A_246, %dot_general3A_247 {dimension_numbers = #tpu.dot_dimension_numbers<[1], [0], [0], [1], [0, 0, 1, 1], [], []>, transpose_lhs_hint = false} : vector<128x128xf32>, vector<128x8xf32>, vector<128x8xf32> -> vector<128x8xf32>
    %sub3A_249 = arith.subf %dot_general3A_248, %slice3A_246 : vector<128x8xf32>
    %add3A_250 = vector.broadcast %add3A_245 : vector<1x8xf32> to vector<128x8xf32>
    %add3A_251 = arith.addf %sub3A_249, %add3A_250 : vector<128x8xf32>
    %mul3A_252 = arith.mulf %add3A_251, %slice3A_246 : vector<128x8xf32>
    %reduce_sum3A_253 = arith.constant dense<0.000000e+00> : vector<128xf32>
    %reduce_sum3A_254 = vector.multi_reduction <add>, %mul3A_252, %reduce_sum3A_253 [1] : vector<128x8xf32> to vector<128xf32>
    %broadcast_in_dim3A_255 = vector.shape_cast %reduce_sum3A_254 : vector<128xf32> to vector<128x1xf32>
    %reduce_sum3A_256 = arith.constant dense<0.000000e+00> : vector<8xf32>
    %reduce_sum3A_257 = vector.multi_reduction <add>, %slice3A_246, %reduce_sum3A_256 [0] : vector<128x8xf32> to vector<8xf32>
    %broadcast_in_dim3A_258 = vector.shape_cast %reduce_sum3A_257 : vector<8xf32> to vector<1x8xf32>
    %add3A_259 = arith.addf %add3A_245, %broadcast_in_dim3A_258 : vector<1x8xf32>
    %slice3A_260 = vector.extract_strided_slice %convert_element_type3A_23 {offsets = [1920, 0], sizes = [128, 8], strides = [1, 1]} : vector<2048x8xf32> to vector<128x8xf32>
    %dot_general3A_261 = arith.constant dense<0.000000e+00> : vector<128x8xf32>
    %dot_general3A_262 = tpu.matmul %convert_element_type3A_48, %slice3A_260, %dot_general3A_261 {dimension_numbers = #tpu.dot_dimension_numbers<[1], [0], [0], [1], [0, 0, 1, 1], [], []>, transpose_lhs_hint = false} : vector<128x128xf32>, vector<128x8xf32>, vector<128x8xf32> -> vector<128x8xf32>
    %sub3A_263 = arith.subf %dot_general3A_262, %slice3A_260 : vector<128x8xf32>
    %add3A_264 = vector.broadcast %add3A_259 : vector<1x8xf32> to vector<128x8xf32>
    %add3A_265 = arith.addf %sub3A_263, %add3A_264 : vector<128x8xf32>
    %mul3A_266 = arith.mulf %add3A_265, %slice3A_260 : vector<128x8xf32>
    %reduce_sum3A_267 = arith.constant dense<0.000000e+00> : vector<128xf32>
    %reduce_sum3A_268 = vector.multi_reduction <add>, %mul3A_266, %reduce_sum3A_267 [1] : vector<128x8xf32> to vector<128xf32>
    %broadcast_in_dim3A_269 = vector.shape_cast %reduce_sum3A_268 : vector<128xf32> to vector<128x1xf32>
    %concatenate3A = tpu.concatenate %broadcast_in_dim3A_59, %broadcast_in_dim3A_73, %broadcast_in_dim3A_87, %broadcast_in_dim3A_101, %broadcast_in_dim3A_115, %broadcast_in_dim3A_129, %broadcast_in_dim3A_143, %broadcast_in_dim3A_157, %broadcast_in_dim3A_171, %broadcast_in_dim3A_185, %broadcast_in_dim3A_199, %broadcast_in_dim3A_213, %broadcast_in_dim3A_227, %broadcast_in_dim3A_241, %broadcast_in_dim3A_255, %broadcast_in_dim3A_269 in 0 : vector<128x1xf32>, vector<128x1xf32>, vector<128x1xf32>, vector<128x1xf32>, vector<128x1xf32>, vector<128x1xf32>, vector<128x1xf32>, vector<128x1xf32>, vector<128x1xf32>, vector<128x1xf32>, vector<128x1xf32>, vector<128x1xf32>, vector<128x1xf32>, vector<128x1xf32>, vector<128x1xf32>, vector<128x1xf32> -> vector<2048x1xf32>
    %mul3A_270 = arith.constant 0.001953125 : f32
    %mul3A_271 = vector.broadcast %mul3A_270 : f32 to vector<1x8xf32>
    %mul3A_272 = arith.mulf %broadcast_in_dim3A_26, %mul3A_271 : vector<1x8xf32>
    %ceil3A = math.ceil %mul3A_272 : vector<1x8xf32>
    %mul3A_273 = arith.constant 5.120000e+02 : f32
    %mul3A_274 = vector.broadcast %mul3A_273 : f32 to vector<1x8xf32>
    %mul3A_275 = arith.mulf %ceil3A, %mul3A_274 : vector<1x8xf32>
    %iota3A_276 = tpu.iota {dimensions = array<i32: 0>} : vector<8x8xi32>
    %iota3A_277 = tpu.iota {dimensions = array<i32: 1>} : vector<8x8xi32>
    %lt3A = arith.cmpi slt, %iota3A_276, %iota3A_277 : vector<8x8xi32>
    %convert_element_type3A_278 = arith.extui %lt3A : vector<8x8xi1> to vector<8x8xi32>
    %convert_element_type3A_279 = arith.sitofp %convert_element_type3A_278 : vector<8x8xi32> to vector<8x8xf32>
    %dot_general3A_280 = arith.constant dense<0.000000e+00> : vector<1x8xf32>
    %dot_general3A_281 = tpu.matmul %mul3A_275, %convert_element_type3A_279, %dot_general3A_280 {dimension_numbers = #tpu.dot_dimension_numbers<[1], [0], [0], [1], [0, 0, 1, 1], [], []>, transpose_lhs_hint = false} : vector<1x8xf32>, vector<8x8xf32>, vector<1x8xf32> -> vector<1x8xf32>
    %mul3A_282 = vector.broadcast %dot_general3A_281 : vector<1x8xf32> to vector<2048x8xf32>
    %mul3A_283 = arith.mulf %convert_element_type3A_23, %mul3A_282 : vector<2048x8xf32>
    %reduce_sum3A_284 = arith.constant dense<0.000000e+00> : vector<2048xf32>
    %reduce_sum3A_285 = vector.multi_reduction <add>, %mul3A_283, %reduce_sum3A_284 [1] : vector<2048x8xf32> to vector<2048xf32>
    %broadcast_in_dim3A_286 = vector.shape_cast %reduce_sum3A_285 : vector<2048xf32> to vector<2048x1xf32>
    %add3A_287 = arith.addf %concatenate3A, %broadcast_in_dim3A_286 : vector<2048x1xf32>
    %convert_element_type3A_288 = arith.fptosi %add3A_287 : vector<2048x1xf32> to vector<2048x1xi32>
    %swap3A_289 = arith.constant 0 : index
    %swap3A_290 = arith.constant 0 : index
    %swap3A_291 = vector.load %arg3[%swap3A_289, %swap3A_290] : memref<2048x1xi32, #tpu.memory_space<vmem>>, vector<2048x1xi32>
    tpu.vector_store %arg3[%swap3A_289, %swap3A_290], %convert_element_type3A_288 {strides = array<i32>} : memref<2048x1xi32, #tpu.memory_space<vmem>>, vector<2048x1xi32>,
    %broadcast_in_dim3A_292 = vector.shape_cast %broadcast_in_dim3A_17 : vector<2048x1xf32> to vector<2048x1xf32>
    %broadcast_in_dim3A_293 = vector.broadcast %broadcast_in_dim3A_292 : vector<2048x1xf32> to vector<2048x128xf32>
    %swap3A_294 = arith.constant 0 : index
    %swap3A_295 = arith.constant 0 : index
    %swap3A_296 = vector.load %arg4[%swap3A_294, %swap3A_295] : memref<2048x128xf32, #tpu.memory_space<vmem>>, vector<2048x128xf32>
    tpu.vector_store %arg4[%swap3A_294, %swap3A_295], %broadcast_in_dim3A_293 {strides = array<i32>} : memref<2048x128xf32, #tpu.memory_space<vmem>>, vector<2048x128xf32>,
    %convert_element_type3A_297 = arith.fptosi %dot_general3A_281 : vector<1x8xf32> to vector<1x8xi32>
    %convert_element_type3A_298 = arith.fptosi %mul3A_275 : vector<1x8xf32> to vector<1x8xi32>
    %iota3A_299 = tpu.iota {dimensions = array<i32: 0>} : vector<12x8xi32>
    %mul3A_300 = arith.constant 512 : i32
    %mul3A_301 = vector.broadcast %mul3A_300 : i32 to vector<12x8xi32>
    %mul3A_302 = arith.muli %iota3A_299, %mul3A_301 : vector<12x8xi32>
    %iota3A_303 = tpu.iota {dimensions = array<i32: 1>} : vector<12x8xi32>
    %ge3A_304 = vector.broadcast %convert_element_type3A_297 : vector<1x8xi32> to vector<12x8xi32>
    %ge3A_305 = arith.cmpi sge, %mul3A_302, %ge3A_304 : vector<12x8xi32>
    %add3A_306 = arith.addi %convert_element_type3A_297, %convert_element_type3A_298 : vector<1x8xi32>
    %lt3A_307 = vector.broadcast %add3A_306 : vector<1x8xi32> to vector<12x8xi32>
    %lt3A_308 = arith.cmpi slt, %mul3A_302, %lt3A_307 : vector<12x8xi32>
    %and3A = arith.andi %ge3A_305, %lt3A_308 : vector<12x8xi1>
    %jit3A_309 = arith.constant 0 : i32
    %broadcast_in_dim3A_310 = vector.broadcast %jit3A_309 : i32 to vector<12x8xi32>
    %select_n3A_311 = arith.select %and3A, %iota3A_303, %broadcast_in_dim3A_310 : vector<12x8xi1>, vector<12x8xi32>
    %reduce_sum3A_312 = arith.constant dense<0> : vector<12xi32>
    %reduce_sum3A_313 = vector.multi_reduction <add>, %select_n3A_311, %reduce_sum3A_312 [1] : vector<12x8xi32> to vector<12xi32>
    %broadcast_in_dim3A_314 = vector.shape_cast %reduce_sum3A_313 : vector<12xi32> to vector<12x1xi32>
    %reduce_max3A_315 = arith.constant dense<-2147483648> : vector<1xi32>
    %reduce_max3A_316 = vector.multi_reduction <maxsi>, %broadcast_in_dim3A_314, %reduce_max3A_315 [0] : vector<12x1xi32> to vector<1xi32>
    %broadcast_in_dim3A_317 = vector.shape_cast %reduce_max3A_316 : vector<1xi32> to vector<1x1xi32>
    %jit3A_318 = arith.constant 0 : i32
    %broadcast_in_dim3A_319 = vector.broadcast %jit3A_318 : i32 to vector<12x8xi32>
    %select_n3A_320 = arith.select %and3A, %iota3A_303, %broadcast_in_dim3A_319 : vector<12x8xi1>, vector<12x8xi32>
    %reduce_sum3A_321 = arith.constant dense<0> : vector<12xi32>
    %reduce_sum3A_322 = vector.multi_reduction <add>, %select_n3A_320, %reduce_sum3A_321 [1] : vector<12x8xi32> to vector<12xi32>
    %broadcast_in_dim3A_323 = vector.shape_cast %reduce_sum3A_322 : vector<12xi32> to vector<12x1xi32>
    %convert_element_type3A_324 = arith.extui %and3A : vector<12x8xi1> to vector<12x8xi32>
    %reduce_sum3A_325 = arith.constant dense<0> : vector<12xi32>
    %reduce_sum3A_326 = vector.multi_reduction <add>, %convert_element_type3A_324, %reduce_sum3A_325 [1] : vector<12x8xi32> to vector<12xi32>
    %broadcast_in_dim3A_327 = vector.shape_cast %reduce_sum3A_326 : vector<12xi32> to vector<12x1xi32>
    %gt3A = arith.constant 0 : i32
    %gt3A_328 = vector.broadcast %gt3A : i32 to vector<12x1xi32>
    %gt3A_329 = arith.cmpi sgt, %broadcast_in_dim3A_327, %gt3A_328 : vector<12x1xi32>
    %broadcast_in_dim3A_330 = vector.shape_cast %broadcast_in_dim3A_317 : vector<1x1xi32> to vector<1x1xi32>
    %broadcast_in_dim3A_331 = vector.broadcast %broadcast_in_dim3A_330 : vector<1x1xi32> to vector<12x1xi32>
    %select_n3A_332 = arith.select %gt3A_329, %broadcast_in_dim3A_323, %broadcast_in_dim3A_331 : vector<12x1xi1>, vector<12x1xi32>
    %swap3A_333 = arith.constant 0 : index
    %swap3A_334 = arith.constant 0 : index
    %swap3A_335 = vector.load %arg5[%swap3A_333, %swap3A_334] : memref<12x1xi32, #tpu.memory_space<vmem>>, vector<12x1xi32>
    tpu.vector_store %arg5[%swap3A_333, %swap3A_334], %select_n3A_332 {strides = array<i32>} : memref<12x1xi32, #tpu.memory_space<vmem>>, vector<12x1xi32>,
    %convert_element_type3A_336 = arith.fptosi %broadcast_in_dim3A_26 : vector<1x8xf32> to vector<1x8xi32>
    %sub3A_337 = vector.broadcast %convert_element_type3A_297 : vector<1x8xi32> to vector<12x8xi32>
    %sub3A_338 = arith.subi %mul3A_302, %sub3A_337 : vector<12x8xi32>
    %sub3A_339 = vector.broadcast %convert_element_type3A_336 : vector<1x8xi32> to vector<12x8xi32>
    %sub3A_340 = arith.subi %sub3A_339, %sub3A_338 : vector<12x8xi32>
    %jit3A_341 = arith.constant 0 : i32
    %jit3A_342 = arith.constant 512 : i32
    %max3A = vector.broadcast %jit3A_341 : i32 to vector<12x8xi32>
    %max3A_343 = arith.maxsi %max3A, %sub3A_340 : vector<12x8xi32>
    %min3A = vector.broadcast %jit3A_342 : i32 to vector<12x8xi32>
    %min3A_344 = arith.minsi %min3A, %max3A_343 : vector<12x8xi32>
    %jit3A_345 = arith.constant 0 : i32
    %broadcast_in_dim3A_346 = vector.broadcast %jit3A_345 : i32 to vector<12x8xi32>
    %select_n3A_347 = arith.select %and3A, %min3A_344, %broadcast_in_dim3A_346 : vector<12x8xi1>, vector<12x8xi32>
    %reduce_sum3A_348 = arith.constant dense<0> : vector<12xi32>
    %reduce_sum3A_349 = vector.multi_reduction <add>, %select_n3A_347, %reduce_sum3A_348 [1] : vector<12x8xi32> to vector<12xi32>
    %broadcast_in_dim3A_350 = vector.shape_cast %reduce_sum3A_349 : vector<12xi32> to vector<12x1xi32>
    %swap3A_351 = arith.constant 0 : index
    %swap3A_352 = arith.constant 0 : index
    %swap3A_353 = vector.load %arg6[%swap3A_351, %swap3A_352] : memref<12x1xi32, #tpu.memory_space<vmem>>, vector<12x1xi32>
    tpu.vector_store %arg6[%swap3A_351, %swap3A_352], %broadcast_in_dim3A_350 {strides = array<i32>} : memref<12x1xi32, #tpu.memory_space<vmem>>, vector<12x1xi32>,
    return
  }
}

module attributes {stable_mosaic.version = 14 : i64} {
  func.func @_ffn_body(%arg0: i32, %arg1: memref<12x1xi32, #tpu.memory_space<smem>>, %arg2: memref<12x1xi32, #tpu.memory_space<smem>>, %arg3: memref<512x768xf32, #tpu.memory_space<vmem>>, %arg4: memref<512x128xf32, #tpu.memory_space<vmem>>, %arg5: memref<1x768x1024xf32, #tpu.memory_space<vmem>>, %arg6: memref<1x768x1024xf32, #tpu.memory_space<vmem>>, %arg7: memref<1x1024x768xf32, #tpu.memory_space<vmem>>, %arg8: memref<512x768xf32, #tpu.memory_space<vmem>>) attributes {dimension_semantics = [#tpu.dimension_semantics<arbitrary>], iteration_bounds = array<i64: 12>, scalar_prefetch = 2 : i64, scratch_operands = 0 : i64, tpu.core_type = #tpu.core_type<tc>, window_params = [{transform_indices = @transform_0, window_bounds = array<i64: 512, 768>}, {transform_indices = @transform_1, window_bounds = array<i64: 512, 128>}, {transform_indices = @transform_2, window_bounds = array<i64: 1, 768, 1024>}, {transform_indices = @transform_3, window_bounds = array<i64: 1, 768, 1024>}, {transform_indices = @transform_4, window_bounds = array<i64: 1, 1024, 768>}, {transform_indices = @transform_5, window_bounds = array<i64: 512, 768>}]} {
    %get3A = arith.index_cast %arg0 : i32 to index
    %get3A_0 = arith.constant 0 : index
    %get3A_1 = memref.load %arg2[%get3A, %get3A_0] : memref<12x1xi32, #tpu.memory_space<smem>>
    %gt3A = arith.constant 0 : i32
    %gt3A_2 = arith.cmpi sgt, %get3A_1, %gt3A : i32
    %convert_element_type3A = arith.extui %gt3A_2 : i1 to i32
    %cond3A = arith.constant 0 : i32
    %cond3A_3 = arith.cmpi ne, %convert_element_type3A, %cond3A : i32
    scf.if %cond3A_3 {
      %get3A_4 = arith.constant 0 : index
      %get3A_5 = arith.constant 0 : index
      %get3A_6 = vector.load %arg3[%get3A_4, %get3A_5] : memref<512x768xf32, #tpu.memory_space<vmem>>, vector<512x768xf32>
      %convert_element_type3A_7 = arith.truncf %get3A_6 : vector<512x768xf32> to vector<512x768xbf16>
      %get3A_8 = arith.constant 0 : index
      %get3A_9 = arith.constant 0 : index
      %get3A_10 = arith.constant 0 : index
      %get3A_11 = vector.load %arg5[%get3A_8, %get3A_9, %get3A_10] : memref<1x768x1024xf32, #tpu.memory_space<vmem>>, vector<1x768x1024xf32>
      %get3A_12 = vector.shape_cast %get3A_11 : vector<1x768x1024xf32> to vector<768x1024xf32>
      %convert_element_type3A_13 = arith.truncf %get3A_12 : vector<768x1024xf32> to vector<768x1024xbf16>
      %get3A_14 = arith.constant 0 : index
      %get3A_15 = arith.constant 0 : index
      %get3A_16 = arith.constant 0 : index
      %get3A_17 = vector.load %arg6[%get3A_14, %get3A_15, %get3A_16] : memref<1x768x1024xf32, #tpu.memory_space<vmem>>, vector<1x768x1024xf32>
      %get3A_18 = vector.shape_cast %get3A_17 : vector<1x768x1024xf32> to vector<768x1024xf32>
      %convert_element_type3A_19 = arith.truncf %get3A_18 : vector<768x1024xf32> to vector<768x1024xbf16>
      %get3A_20 = arith.constant 0 : index
      %get3A_21 = arith.constant 0 : index
      %get3A_22 = arith.constant 0 : index
      %get3A_23 = vector.load %arg7[%get3A_20, %get3A_21, %get3A_22] : memref<1x1024x768xf32, #tpu.memory_space<vmem>>, vector<1x1024x768xf32>
      %get3A_24 = vector.shape_cast %get3A_23 : vector<1x1024x768xf32> to vector<1024x768xf32>
      %convert_element_type3A_25 = arith.truncf %get3A_24 : vector<1024x768xf32> to vector<1024x768xbf16>
      %dot_general3A = arith.constant dense<0.000000e+00> : vector<512x1024xf32>
      %dot_general3A_26 = tpu.matmul %convert_element_type3A_7, %convert_element_type3A_13, %dot_general3A {dimension_numbers = #tpu.dot_dimension_numbers<[1], [0], [0], [1], [0, 0, 1, 1], [], []>, transpose_lhs_hint = false} : vector<512x768xbf16>, vector<768x1024xbf16>, vector<512x1024xf32> -> vector<512x1024xf32>
      %dot_general3A_27 = arith.constant dense<0.000000e+00> : vector<512x1024xf32>
      %dot_general3A_28 = tpu.matmul %convert_element_type3A_7, %convert_element_type3A_19, %dot_general3A_27 {dimension_numbers = #tpu.dot_dimension_numbers<[1], [0], [0], [1], [0, 0, 1, 1], [], []>, transpose_lhs_hint = false} : vector<512x768xbf16>, vector<768x1024xbf16>, vector<512x1024xf32> -> vector<512x1024xf32>
      %neg3A = arith.constant 0.000000e+00 : f32
      %neg3A_29 = vector.broadcast %neg3A : f32 to vector<512x1024xf32>
      %neg3A_30 = arith.subf %neg3A_29, %dot_general3A_26 : vector<512x1024xf32>
      %exp3A = math.exp %neg3A_30 : vector<512x1024xf32>
      %add3A = arith.constant 1.000000e+00 : f32
      %add3A_31 = vector.broadcast %add3A : f32 to vector<512x1024xf32>
      %add3A_32 = arith.addf %add3A_31, %exp3A : vector<512x1024xf32>
      %div3A = arith.constant 1.000000e+00 : f32
      %div3A_33 = vector.broadcast %div3A : f32 to vector<512x1024xf32>
      %div3A_34 = arith.divf %div3A_33, %add3A_32 : vector<512x1024xf32>
      %mul3A = arith.mulf %dot_general3A_26, %div3A_34 : vector<512x1024xf32>
      %mul3A_35 = arith.mulf %mul3A, %dot_general3A_28 : vector<512x1024xf32>
      %convert_element_type3A_36 = arith.truncf %mul3A_35 : vector<512x1024xf32> to vector<512x1024xbf16>
      %dot_general3A_37 = arith.constant dense<0.000000e+00> : vector<512x768xf32>
      %dot_general3A_38 = tpu.matmul %convert_element_type3A_36, %convert_element_type3A_25, %dot_general3A_37 {dimension_numbers = #tpu.dot_dimension_numbers<[1], [0], [0], [1], [0, 0, 1, 1], [], []>, transpose_lhs_hint = false} : vector<512x1024xbf16>, vector<1024x768xbf16>, vector<512x768xf32> -> vector<512x768xf32>
      %get3A_39 = arith.constant 0 : index
      %get3A_40 = arith.constant 0 : index
      %get3A_41 = vector.load %arg4[%get3A_39, %get3A_40] : memref<512x128xf32, #tpu.memory_space<vmem>>, vector<512x128xf32>
      %slice3A = vector.extract_strided_slice %get3A_41 {offsets = [0, 0], sizes = [512, 1], strides = [1, 1]} : vector<512x128xf32> to vector<512x1xf32>
      %mul3A_42 = vector.broadcast %slice3A : vector<512x1xf32> to vector<512x768xf32>
      %mul3A_43 = arith.mulf %dot_general3A_38, %mul3A_42 : vector<512x768xf32>
      %swap3A = arith.constant 0 : index
      %swap3A_44 = arith.constant 0 : index
      %swap3A_45 = vector.load %arg8[%swap3A, %swap3A_44] : memref<512x768xf32, #tpu.memory_space<vmem>>, vector<512x768xf32>
      tpu.vector_store %arg8[%swap3A, %swap3A_44], %mul3A_43 {strides = array<i32>} : memref<512x768xf32, #tpu.memory_space<vmem>>, vector<512x768xf32>,
    } else {
    }
    return
  }
  func.func @transform_0(%arg0: i32, %arg1: memref<12x1xi32, #tpu.memory_space<smem>>, %arg2: memref<12x1xi32, #tpu.memory_space<smem>>) -> (i32, i32) {
    %get3A = arith.index_cast %arg0 : i32 to index
    %get3A_0 = arith.constant 0 : index
    %get3A_1 = memref.load %arg2[%get3A, %get3A_0] : memref<12x1xi32, #tpu.memory_space<smem>>
    %gt3A = arith.constant 0 : i32
    %gt3A_2 = arith.cmpi sgt, %get3A_1, %gt3A : i32
    %jit3A = arith.constant 0 : i32
    %select_n3A = arith.select %gt3A_2, %arg0, %jit3A : i32
    %c0_i32 = arith.constant 0 : i32
    %c0_i32_3 = arith.constant 0 : i32
    return %select_n3A, %c0_i32 : i32, i32
  }
  func.func @transform_1(%arg0: i32, %arg1: memref<12x1xi32, #tpu.memory_space<smem>>, %arg2: memref<12x1xi32, #tpu.memory_space<smem>>) -> (i32, i32) {
    %get3A = arith.index_cast %arg0 : i32 to index
    %get3A_0 = arith.constant 0 : index
    %get3A_1 = memref.load %arg2[%get3A, %get3A_0] : memref<12x1xi32, #tpu.memory_space<smem>>
    %gt3A = arith.constant 0 : i32
    %gt3A_2 = arith.cmpi sgt, %get3A_1, %gt3A : i32
    %jit3A = arith.constant 0 : i32
    %select_n3A = arith.select %gt3A_2, %arg0, %jit3A : i32
    %c0_i32 = arith.constant 0 : i32
    %c0_i32_3 = arith.constant 0 : i32
    return %select_n3A, %c0_i32 : i32, i32
  }
  func.func @transform_2(%arg0: i32, %arg1: memref<12x1xi32, #tpu.memory_space<smem>>, %arg2: memref<12x1xi32, #tpu.memory_space<smem>>) -> (i32, i32, i32) {
    %get3A = arith.index_cast %arg0 : i32 to index
    %get3A_0 = arith.constant 0 : index
    %get3A_1 = memref.load %arg1[%get3A, %get3A_0] : memref<12x1xi32, #tpu.memory_space<smem>>
    %c0_i32 = arith.constant 0 : i32
    %c0_i32_2 = arith.constant 0 : i32
    %c0_i32_3 = arith.constant 0 : i32
    return %get3A_1, %c0_i32, %c0_i32_2 : i32, i32, i32
  }
  func.func @transform_3(%arg0: i32, %arg1: memref<12x1xi32, #tpu.memory_space<smem>>, %arg2: memref<12x1xi32, #tpu.memory_space<smem>>) -> (i32, i32, i32) {
    %get3A = arith.index_cast %arg0 : i32 to index
    %get3A_0 = arith.constant 0 : index
    %get3A_1 = memref.load %arg1[%get3A, %get3A_0] : memref<12x1xi32, #tpu.memory_space<smem>>
    %c0_i32 = arith.constant 0 : i32
    %c0_i32_2 = arith.constant 0 : i32
    %c0_i32_3 = arith.constant 0 : i32
    return %get3A_1, %c0_i32, %c0_i32_2 : i32, i32, i32
  }
  func.func @transform_4(%arg0: i32, %arg1: memref<12x1xi32, #tpu.memory_space<smem>>, %arg2: memref<12x1xi32, #tpu.memory_space<smem>>) -> (i32, i32, i32) {
    %get3A = arith.index_cast %arg0 : i32 to index
    %get3A_0 = arith.constant 0 : index
    %get3A_1 = memref.load %arg1[%get3A, %get3A_0] : memref<12x1xi32, #tpu.memory_space<smem>>
    %c0_i32 = arith.constant 0 : i32
    %c0_i32_2 = arith.constant 0 : i32
    %c0_i32_3 = arith.constant 0 : i32
    return %get3A_1, %c0_i32, %c0_i32_2 : i32, i32, i32
  }
  func.func @transform_5(%arg0: i32, %arg1: memref<12x1xi32, #tpu.memory_space<smem>>, %arg2: memref<12x1xi32, #tpu.memory_space<smem>>) -> (i32, i32) {
    %get3A = arith.index_cast %arg0 : i32 to index
    %get3A_0 = arith.constant 0 : index
    %get3A_1 = memref.load %arg2[%get3A, %get3A_0] : memref<12x1xi32, #tpu.memory_space<smem>>
    %gt3A = arith.constant 0 : i32
    %gt3A_2 = arith.cmpi sgt, %get3A_1, %gt3A : i32
    %jit3A = arith.constant 12 : i32
    %select_n3A = arith.select %gt3A_2, %arg0, %jit3A : i32
    %c0_i32 = arith.constant 0 : i32
    %c0_i32_3 = arith.constant 0 : i32
    return %select_n3A, %c0_i32 : i32, i32
  }
}

</mosaic_0001>

<sc_bundles>
// kernel: kernel.6.cloned.1.call-start
scs
__scs_entry_jumppad:
0x0: {  	(pc) =	sbr.rel $0x88, $3  }
0x1: {  	(tag) =	ssettag $0x0;
	lr =	simm.s32 $0x1  }
0x2: {  	[smem:$0x3F9B] =	sst lr;
	_ =	strace $0xD0000000  }
0x3: {  	_ = 	snop  }
0x4: {  	_ = 	snop  }
0x5: {  	_ = 	snop  }
0x6: {  	_ = 	snop  }
0x7: {  	_ = 	snop  }
__scs_overlays_trampoline_lowered:
0x8: {  	[smem:$0x3FAA] =	sst s0  }
0x9: {  	[smem:$0x3FAB] =	sst s1  }
0xa: {  	[smem:$0x3FAC] =	sst s2  }
0xb: {  	[smem:$0x3FAD] =	sst s3  }
0xc: {  	[smem:$0x3FAE] =	sst s4  }
0xd: {  	[smem:$0x3FAF] =	sst s5  }
0xe: {  	[smem:$0x3FB0] =	sst s6  }
0xf: {  	[smem:$0x3FB1] =	sst s7  }
0x10: {  	[smem:$0x3FB2] =	sst s8  }
0x11: {  	[smem:$0x3FB3] =	sst s9;
	s0 =	simm.s32 @!p0 $0x0  }
0x12: {  	s1 =	sld [smem:$0x3F99];
	s0 =	simm.s32 @p0 $0x1  }
0x13: {  	[smem:$0x3FB4] =	sst s0;
	s0 =	simm.s32 @!p1 $0x0  }
0x14: {  	s2 =	sld [smem:$0x3F98];
	s0 =	simm.s32 @p1 $0x1  }
0x15: {  	[smem:$0x3FB5] =	sst s0;
	s0 =	simm.s32 @!p2 $0x0  }
0x16: {  	s3 =	sld [smem:$0x3FDB];
	s0 =	simm.s32 @p2 $0x1  }
0x17: {  	s4 =	simm.s32 $0x1BF5;
	[smem:$0x3FB7] =	sst s0  }
0x18: {  	s0 =	sld [smem:$0x3F9A];
	_ =	swait.ge [sflag:s4], $0x0  }
0x19: {  	s7 =	sld [smem:$0x3F9B]  }
0x1a: {  	s8 =	sadd.s32 $0xFFFFE003, lr  }
0x1b: {  	s9 =	sadd.s32 $0xFFFFFEF7, lr;
	s5 =	simm.s32 $0xFFFFFFFF;
	p2 =	slt.u32 s8, $0xFFFFF086  }
0x1c: {  	p1 =	slt.u32 s9, $0xF7A;
	s5 =	simm.s32 @!p2 $0x0  }
0x1d: {  	s5 =	simm.s32 @p1 $0x1;
	p0 =	seq.s32 s7, s2  }
0x1e: {  	s7 =	smul.u32 @!p0 $0xF7A, s2;
	p2 =	seq.s32 @!p0 s5, $0x0  }
0x1f: {  	s9 =	smul.u32 $0xF7A, s1;
	s8 =	simm.s32 @!p0 $0x1BF5;
	p2 =	por !p2, p0  }
0x20: {  	[sflag:s8] =	ssyncset.s32 @!p0 $0xFFFFF086;
	s6 =	sadd.s32 @!p0 s3, s7;
	s7 =	simm.s32 @!p0 $0x108  }
0x21: {  	s3 =	sadd.s32 s3, s9;
	s6 =	sadd.s32 @!p0 $0x88, s6;
	s7 =	simm.s32 @p2 $0x1082  }
0x22: {  	[simem:s7], [sflag:s8] =	dma.local @!p0 [hbm:s6], $0xF7A  }
0x23: {  	s9 =	sor.u32 $0xD0000000, s2;
	s6 =	simm.s32 $0x108;
	_ =	swait.ge @!p0 [sflag:s8], $0x0  }
0x24: {  	s3 =	sadd.s32 $0x88, s3;
	s6 =	simm.s32 @!p1 $0x1082;
	[sflag:s4] =	ssyncset.s32 $0xFFFFF086  }
0x25: {  	[simem:s6], [sflag:s4] =	dma.local [hbm:s3], $0xF7A  }
0x26: {  	[smem:$0x3F9B] =	sst s1;
	(tag) =	ssettag s2;
	_ =	strace s9  }
0x27: {  	s1 =	sld [smem:$0x3FAB]  }
0x28: {  	s2 =	sld [smem:$0x3FAC]  }
0x29: {  	s4 =	sld [smem:$0x3FAE]  }
0x2a: {  	p0 =	seq.s32 s5, $0x0;
	s5 =	sld [smem:$0x3FAF]  }
0x2b: {  	s6 =	sld [smem:$0x3FB0]  }
0x2c: {  	s7 =	sld [smem:$0x3FB1]  }
0x2d: {  	s3 =	simm.s32 $0x108;
	s8 =	sld [smem:$0x3FB2]  }
0x2e: {  	s3 =	simm.s32 @!p0 $0x1082;
	s9 =	sld [smem:$0x3FB3]  }
0x2f: {  	lr =	sadd.s32 s0, s3;
	s0 =	sld [smem:$0x3FAA]  }
0x30: {  	s3 =	sld [smem:$0x3FAD]  }
0x31: {  	[smem:$0x3FB6] =	sst s10  }
0x32: {  	s10 =	sld [smem:$0x3FB4];
	_ =	sdelay $0x3  }
0x33: {  	p0 =	seq.s32 s10, $0x1;
	s10 =	sld [smem:$0x3FB6];
	_ =	sdelay $0x3  }
0x34: {  	[smem:$0x3FB6] =	sst s10  }
0x35: {  	s10 =	sld [smem:$0x3FB5];
	_ =	sdelay $0x3  }
0x36: {  	p1 =	seq.s32 s10, $0x1;
	s10 =	sld [smem:$0x3FB6];
	_ =	sdelay $0x3  }
0x37: {  	[smem:$0x3FB6] =	sst s10  }
0x38: {  	s10 =	sld [smem:$0x3FB7]  }
0x39: {  	_ = 	snop;
	(pc) =	sbr.ind lr, $3  }
0x3a: {  	_ = 	snop  }
0x3b: {  	_ = 	snop  }
0x3c: {  	p2 =	seq.s32 s10, $0x1;
	s10 =	sld [smem:$0x3FB6]  }
0x3d: {  	_ =	shalt  }
0x3e: {  	_ =	shalt  }
0x3f: {  	_ =	shalt  }
0x40: {  	_ =	shalt  }
0x41: {  	_ =	shalt  }
0x42: {  	_ =	shalt  }
0x43: {  	_ =	shalt  }
0x44: {  	_ =	shalt  }
0x45: {  	_ =	shalt  }
0x46: {  	_ =	shalt  }
0x47: {  	_ =	shalt  }
0x48: {  	_ =	shalt  }
0x49: {  	_ =	shalt  }
0x4a: {  	_ =	shalt  }
0x4b: {  	_ =	shalt  }
0x4c: {  	_ =	shalt  }
0x4d: {  	_ =	shalt  }
0x4e: {  	_ =	shalt  }
0x4f: {  	_ =	shalt  }
0x50: {  	_ =	shalt  }
0x51: {  	_ =	shalt  }
0x52: {  	_ =	shalt  }
0x53: {  	_ =	shalt  }
0x54: {  	_ =	shalt  }
0x55: {  	_ =	shalt  }
0x56: {  	_ =	shalt  }
0x57: {  	_ =	shalt  }
0x58: {  	_ =	shalt  }
0x59: {  	_ =	shalt  }
0x5a: {  	_ =	shalt  }
0x5b: {  	_ =	shalt  }
0x5c: {  	_ =	shalt  }
0x5d: {  	_ =	shalt  }
0x5e: {  	_ =	shalt  }
0x5f: {  	_ =	shalt  }
0x60: {  	_ =	shalt  }
0x61: {  	_ =	shalt  }
0x62: {  	_ =	shalt  }
0x63: {  	_ =	shalt  }
0x64: {  	_ =	shalt  }
0x65: {  	_ =	shalt  }
0x66: {  	_ =	shalt  }
0x67: {  	_ =	shalt  }
0x68: {  	_ =	shalt  }
0x69: {  	_ =	shalt  }
0x6a: {  	_ =	shalt  }
0x6b: {  	_ =	shalt  }
0x6c: {  	_ =	shalt  }
0x6d: {  	_ =	shalt  }
0x6e: {  	_ =	shalt  }
0x6f: {  	_ =	shalt  }
0x70: {  	_ =	shalt  }
0x71: {  	_ =	shalt  }
0x72: {  	_ =	shalt  }
0x73: {  	_ =	shalt  }
0x74: {  	_ =	shalt  }
0x75: {  	_ =	shalt  }
0x76: {  	_ =	shalt  }
0x77: {  	_ =	shalt  }
0x78: {  	_ =	shalt  }
0x79: {  	_ =	shalt  }
0x7a: {  	_ =	shalt  }
0x7b: {  	_ =	shalt  }
0x7c: {  	_ =	shalt  }
0x7d: {  	_ =	shalt  }
0x7e: {  	_ =	shalt  }
0x7f: {  	_ =	shalt  }
0x80: {  	_ =	shalt  }
0x81: {  	_ =	shalt  }
0x82: {  	_ =	shalt  }
0x83: {  	_ =	shalt  }
0x84: {  	_ =	shalt  }
0x85: {  	_ =	shalt  }
0x86: {  	_ =	shalt  }
0x87: {  	_ =	shalt  }
.Lfunc_end0:
.L_simem_size_0:
called_computation_lowered:
.L_overlay_start_0:
0x88: {  	s2 =	sld [smem:$0x3FD9]  }
0x89: {  	s3 =	sld [smem:$0x3FFE];
	_ =	sdelay $0x1  }
0x8a: {  	s1 =	srdreg.scid  }
0x8b: {  	s0 =	sand.u32 $0x1, s1  }
0x8c: {  	s14 =	sshll.u32 s0, $0xA;
	s2 =	sadd.s32 s3, s2  }
0x8d: {  	s2 =	sadd.s32 s2, s14  }
0x8e: {  	[smem:$0x3FC2] =	sst s2  }
0x8f: {  	_ = 	snop  }
0x90: {  	s2 =	sld [smem:$0x3FD0];
	_ =	sdelay $0x2  }
0x91: {  	s4 =	simm.s32 $0xA;
	s5 =	simm.s32 $0x10;
	s15 =	sld [smem:$0x3FC9]  }
0x92: {  	[smem:s5], [sflag:s4] =	dma.local [hbm:s2], $0x1  }
0x93: {  	_ =	swait.eq [sflag:s4], $0x1  }
0x94: {  	[sflag:s4] =	ssyncset.done $0x0  }
0x95: {  	[sflag:s4] =	ssyncadd.s32 $0xFFFFFFFF  }
0x96: {  	s16 =	sld [smem:$0x10];
	(tm) =	ssettm $0x1  }
0x97: {  	s17 =	sld [smem:$0x3FFB];
	_ =	sdelay $0x3  }
0x98: {  	_ =	strace s17  }
0x99: {  	s4 =	sld [smem:$0x3FFC];
	_ =	sdelay $0x3  }
0x9a: {  	_ =	strace s4  }
0x9b: {  	s4 =	sld [smem:$0x3FFD];
	_ =	sdelay $0x3  }
0x9c: {  	_ =	strace s4  }
0x9d: {  	_ =	strace $0x8FFFFFFF  }
0x9e: {  	s18 =	sld [smem:$0x3FDB];
	_ =	sdelay $0x1  }
0x9f: {  	s19 =	simm.s32 $_scs_section_size  }
0xa0: {  	s6 =	simm.s32 $_size__tile_overlayer_lowered;
	s7 =	simm.s32 $_tile_overlayer_lowered  }
0xa1: {  	s22 =	simm.s32 $0x1BFF;
	s21 =	sshll.u32 s7, $0x1;
	s4 =	sadd.s32 s19, s18  }
0xa2: {  	s8 =	simm.s32 $0x0;
	s20 =	sshll.u32 s6, $0x1;
	s6 =	sadd.s32 s21, s4  }
0xa3: {  	[timem:s8], [sflag:s22] =	dma.local [hbm:s6], s20  }
0xa4: {  	_ =	swait.ge [sflag:s22], s20  }
0xa5: {  	s5 =	ssub.s32 $0x0, s20;
	[sflag:s22] =	ssyncset.done $0x0  }
0xa6: {  	[sflag:s22] =	ssyncadd.s32 s5;
	_ =	sdelay $0x1  }
0xa7: {  	s23 =	simm.s32 $0x1B8B  }
0xa8: {  	_ =	swait.ge [sflag:s23], $0x1  }
0xa9: {  	[sflag:s23] =	ssyncset.done $0x0  }
0xaa: {  	s25 =	simm.s32 $0x1B8E;
	s24 =	sld [smem:$0x3FFE];
	[sflag:s23] =	ssyncadd.s32 $0xFFFFFFFF  }
0xab: {  	s26 =	simm.s32 $execute0_lowered;
	[smem:$0x3FD2] =	sst s25  }
0xac: {  	s6 =	sshll.u32 s26, $0x1;
	_ =	strace $0x80000046;
	[dreg:$0x1] =	wrdreg $0xFFFFFFFF  }
0xad: {  	s28 =	simm.s32 $_size_execute0_lowered;
	s4 =	sadd.s32 s4, s6;
	[dreg:$0x0] =	wrdreg $0x0  }
0xae: {  	s6 =	sshll.u32 s28, $0x1;
	[dreg:$0x2] =	wrdreg s4  }
0xaf: {  	[dreg:$0x3] =	wrdreg s6  }
0xb0: {  	[dreg:$0x4] =	wrdreg $0xC0  }
0xb1: {  	_ =	task [dreg:s8], $0x5FFFF  }
0xb2: {  	[dreg:$0x1] =	wrdreg $0xFFFFFFFF  }
0xb3: {  	[dreg:$0x0] =	wrdreg $0x60  }
0xb4: {  	[dreg:$0x2] =	wrdreg s15  }
0xb5: {  	[dreg:$0x3] =	wrdreg s24  }
0xb6: {  	[dreg:$0x4] =	wrdreg s16  }
0xb7: {  	[dreg:$0x5] =	wrdreg $0x9  }
0xb8: {  	_ =	task.clear_ibuf [dreg:s8], $0x6FFFF;
	_ =	strace $0x90000046  }
0xb9: {  	s29 =	simm.s32 $0x9;
	_ =	strace $0x80000048  }
0xba: {  	_ =	swait.ge [sflag:s29], $0x1  }
0xbb: {  	[sflag:s29] =	ssyncadd.s32 $0xFFFFFFFF  }
0xbc: {  	_ =	strace $0x90000048  }
0xbd: {  	_ =	sfence  }
0xbe: {  	s30 =	sld [smem:$0x0];
	_ =	sdelay $0x2  }
0xbf: {  	s31 =	sshll.u32 s1, $0xD;
	s1 =	sshrl.u32 s1, $0x2  }
0xc0: {  	s3 =	sand.u32 $0x4000, s31;
	s1 =	sadd.s32 s1, s30  }
0xc1: {  	s0 =	sor.u32 s3, s0;
	s1 =	sshll.u32 s1, $0x11  }
0xc2: {  	s0 =	sor.u32 s1, s0  }
0xc3: {  	s0 =	sadd.s32 $0x8F2B, s0  }
0xc4: {  	[sflag:s0] =	ssyncadd.remote.s32 $0x1  }
0xc5: {  	_ =	sfence.sel $0xFFFF  }
0xc6: {  	[dreg:$0x0] =	wrdreg $0xFFFFFFFF;
	(pc) =	sbr.abs _section_cstart, $3  }
0xc7: {  	[dreg:$0x1] =	wrdreg $0xFFFFFFFF  }
0xc8: {  	_ =	task.clear_ibuf [dreg:s8], $0x2FFFF;
	_ =	strace $0x9FFFFFFF  }
0xc9: {  	(tm) =	ssettm $0x7FFFFFFF  }
tec
execute0_lowered:
.L_overlay_start_1:
0x0: {  	(tag) =	ssettag $0x1  }
0x1: {  	s1 =	rddreg [dreg:$0x0]  }
0x2: {  	s5 =	rddreg [dreg:$0x1];
	s2 =	srdreg.scid  }
0x3: {  	s3 =	rddreg [dreg:$0x2];
	s0 =	stileid.u32;
	s23 =	simm.s32 $0x880  }
0x4: {  	s24 =	simm.s32 $0x1080;
	s25 =	simm.s32 $0x1880;
	s8 =	simm.s32 $0x80  }
0x5: {  	s26 =	simm.s32 $0x2080;
	s9 =	simm.s32 $0xC080;
	s11 =	simm.s32 $0x3080  }
0x6: {  	s12 =	simm.s32 $0x3880;
	s13 =	simm.s32 $0x4080;
	s14 =	simm.s32 $0x4880  }
0x7: {  	s15 =	simm.s32 $0x5080;
	s16 =	simm.s32 $0x5880;
	s17 =	simm.s32 $0x6080  }
0x8: {  	s18 =	simm.s32 $0x6880;
	s19 =	simm.s32 $0x7080;
	s28 =	simm.s32 $0xB080  }
0x9: {  	s4 =	sand.u32 $0x1, s2;
	[dreg:$0x4] =	wrdreg s3;
	s2 =	simm.s32 $0x0  }
0xa: {  	s29 =	simm.s32 $0xB880;
	s30 =	simm.s32 $0x40;
	[smem:$0x7FF] =	sst s2  }
0xb: {  	s31 =	simm.s32 $0x1;
	_ =	strace $0x80000047;
	[dreg:$0x8] =	wrdreg s23  }
0xc: {  	s20 =	sshll.u32 s0, $0x7;
	s6 =	sshll.u32 s4, $0x6;
	[dreg:$0x9] =	wrdreg s24  }
0xd: {  	s4 =	ssub.s32 $0x2, s4;
	s3 =	sor.u32 s6, s20;
	[dreg:$0xa] =	wrdreg s25  }
0xe: {  	s21 =	sshrl.u32 s4, $0x1;
	[dreg:$0xb] =	wrdreg s26;
	s20 =	simm.s32 $0x7880  }
0xf: {  	s23 =	simm.s32 $0x9080;
	s24 =	simm.s32 $0x9880;
	s25 =	simm.s32 $0xA080  }
0x10: {  	s26 =	simm.s32 $0xA880;
	s6 =	sshrl.u32 s3, $0x3;
	s3 =	sshll.u32 s3, $0x4  }
0x11: {  	s7 =	sadd.s32 s6, s5;
	s6 =	smul.u32 $0x300, s6;
	s3 =	sadd.s32 s3, s5  }
0x12: {  	s7 =	sadd.s32 $0x9400, s7;
	s22 =	sadd.s32 $0x1400, s3;
	s3 =	sadd.s32 $0x9600, s5  }
0x13: {  	[dreg:$0x5] =	wrdreg s7;
	s1 =	sadd.s32 s1, s6;
	s6 =	ssub.s32 s4, s21  }
0x14: {  	v2 =	vlaneseq.u32;
	[dreg:$0x7] =	wrdreg s22;
	s4 =	sadd.s32 $0x9700, s5;
	s5 =	sadd.s32 $0x9800, s5  }
0x15: {  	vm0 =	vmmov $0xffff;
	v1 =	vshrl.u32 v2, $0x3;
	s7 =	simm.s32 $0x3;
	s21 =	simm.s32 $0x8080;
	s22 =	simm.s32 $0x8880  }
0x16: {  	v0 =	vand.u32 $0x7, v2;
	v2 =	vor.u32 $0x8, v2;
	v1 =	vmul.u32 $0x8, v1;
	[dreg:$0x6] =	wrdreg s1;
	s6 =	smax.u32 s6, $0x1;
	s1 =	simm.s32 $0x2  }
.LBB2_1:
0x17: {  	s0 =	rddreg [dreg:$0x5]  }
0x18: {  	[tilespmem:s2], [sflag:$0x3] =	stream.linear.gather [hbm4b:s0+s2], $0x40, $0x38;
	[tilespmem:$0xE080] =	vst v63  }
0x19: {  	_ =	swait.ge [sflag:s7], $0x40  }
0x1a: {  	[sflag:s7] =	ssyncset.done $0x0  }
0x1b: {  	s10 =	rddreg [dreg:$0x6];
	[sflag:s7] =	ssyncadd.s32 $0xFFFFFFC0  }
0x1c: {  	[tilespmem:s8], [sflag:$0x3] =	stream.linear.gather [hbm4b:s10+s2], $0xC000, $0x38;
	[tilespmem:$0xE080] =	vst v63  }
0x1d: {  	_ =	swait.ge [sflag:s7], $0xC000  }
0x1e: {  	[sflag:s7] =	ssyncset.done $0x0  }
0x1f: {  	s10 =	rddreg [dreg:$0x7];
	[sflag:s7] =	ssyncadd.s32 $0xFFFF4000  }
0x20: {  	[tilespmem:s9], [sflag:$0x3] =	stream.linear.gather [hbm4b:s10+s2], $0x2000, $0x38;
	[tilespmem:$0xE080] =	vst v63  }
0x21: {  	_ =	swait.ge [sflag:s7], $0x2000  }
0x22: {  	[sflag:s7] =	ssyncset.done $0x0  }
0x23: {  	[sflag:s7] =	ssyncadd.s32 $0xFFFFE000  }
0x24: {  	v3 =	vld [tilespmem:$0x0];
	_ =	sdelay $0x4  }
0x25: {  	v4 =	vshrl.u32 v3, $0x3  }
0x26: {  	v4 =	vmul.u32 $0x30, v4  }
0x27: {  	v3 =	vand.u32 $0x7, v3  }
0x28: {  	v3 =	vor.u32 v3, v4  }
0x29: {  	v4 =	vperm.xlane v3, v0;
	_ =	sdelay $0x1  }
0x2a: {  	v4 =	vadd.s32 v1, v4;
	_ =	sdelay $0x3  }
0x2b: {  	v3 =	vperm.xlane v3, v2  }
0x2c: {  	[hbm4b:s3+s2] =	stream.indirect_vreg.scatter [tilespmem:s8], [sflag:$0x1], $0x80, v4, vm0, $0xb8;
	[tilespmem:$0xE080] =	vst v63  }
0x2d: {  	s0 =	rddreg [dreg:$0x8];
	v3 =	vadd.s32 v1, v3  }
0x2e: {  	[hbm4b:s4+s2] =	stream.indirect_vreg.scatter [tilespmem:s0], [sflag:$0x1], $0x80, v4, vm0, $0xb8;
	[tilespmem:$0xE080] =	vst v63  }
0x2f: {  	s10 =	rddreg [dreg:$0x9]  }
0x30: {  	[hbm4b:s5+s2] =	stream.indirect_vreg.scatter [tilespmem:s10], [sflag:$0x1], $0x80, v4, vm0, $0xb8;
	[tilespmem:$0xE080] =	vst v63  }
0x31: {  	s0 =	rddreg [dreg:$0xa]  }
0x32: {  	[hbm4b:s3+s2] =	stream.indirect_vreg.scatter [tilespmem:s0], [sflag:$0x1], $0x80, v3, vm0, $0xb8;
	[tilespmem:$0xE080] =	vst v63  }
0x33: {  	s10 =	rddreg [dreg:$0xb]  }
0x34: {  	[hbm4b:s4+s2] =	stream.indirect_vreg.scatter [tilespmem:s10], [sflag:$0x1], $0x80, v3, vm0, $0xb8;
	[tilespmem:$0xE080] =	vst v63  }
0x35: {  	s10 =	simm.s32 $0x2880  }
0x36: {  	[hbm4b:s5+s2] =	stream.indirect_vreg.scatter [tilespmem:s10], [sflag:$0x1], $0x80, v3, vm0, $0xb8;
	[tilespmem:$0xE080] =	vst v63  }
0x37: {  	v3 =	vld [tilespmem:$0x10];
	_ =	sdelay $0x4  }
0x38: {  	v61 =	vshrl.u32 v3, $0x3  }
0x39: {  	v4 =	vmul.u32 $0x30, v61  }
0x3a: {  	v3 =	vand.u32 $0x7, v3  }
0x3b: {  	v3 =	vor.u32 v3, v4  }
0x3c: {  	v4 =	vperm.xlane v3, v0;
	_ =	sdelay $0x1  }
0x3d: {  	v4 =	vadd.s32 v1, v4;
	_ =	sdelay $0x3  }
0x3e: {  	v3 =	vperm.xlane v3, v2  }
0x3f: {  	[hbm4b:s3+s2] =	stream.indirect_vreg.scatter [tilespmem:s11], [sflag:$0x1], $0x80, v4, vm0, $0xb8;
	[tilespmem:$0xE080] =	vst v63  }
0x40: {  	v3 =	vadd.s32 v1, v3  }
0x41: {  	[hbm4b:s4+s2] =	stream.indirect_vreg.scatter [tilespmem:s12], [sflag:$0x1], $0x80, v4, vm0, $0xb8;
	[tilespmem:$0xE080] =	vst v63  }
0x42: {  	_ = 	snop  }
0x43: {  	[hbm4b:s5+s2] =	stream.indirect_vreg.scatter [tilespmem:s13], [sflag:$0x1], $0x80, v4, vm0, $0xb8;
	[tilespmem:$0xE080] =	vst v63  }
0x44: {  	_ = 	snop  }
0x45: {  	[hbm4b:s3+s2] =	stream.indirect_vreg.scatter [tilespmem:s14], [sflag:$0x1], $0x80, v3, vm0, $0xb8;
	[tilespmem:$0xE080] =	vst v63  }
0x46: {  	_ = 	snop  }
0x47: {  	[hbm4b:s4+s2] =	stream.indirect_vreg.scatter [tilespmem:s15], [sflag:$0x1], $0x80, v3, vm0, $0xb8;
	[tilespmem:$0xE080] =	vst v63  }
0x48: {  	_ = 	snop  }
0x49: {  	[hbm4b:s5+s2] =	stream.indirect_vreg.scatter [tilespmem:s16], [sflag:$0x1], $0x80, v3, vm0, $0xb8;
	[tilespmem:$0xE080] =	vst v63  }
0x4a: {  	v3 =	vld [tilespmem:$0x20];
	_ =	sdelay $0x4  }
0x4b: {  	v62 =	vshrl.u32 v3, $0x3  }
0x4c: {  	v4 =	vmul.u32 $0x30, v62  }
0x4d: {  	v3 =	vand.u32 $0x7, v3  }
0x4e: {  	v3 =	vor.u32 v3, v4  }
0x4f: {  	v4 =	vperm.xlane v3, v0;
	_ =	sdelay $0x1  }
0x50: {  	v4 =	vadd.s32 v1, v4;
	_ =	sdelay $0x3  }
0x51: {  	v3 =	vperm.xlane v3, v2  }
0x52: {  	[hbm4b:s3+s2] =	stream.indirect_vreg.scatter [tilespmem:s17], [sflag:$0x1], $0x80, v4, vm0, $0xb8;
	[tilespmem:$0xE080] =	vst v63  }
0x53: {  	v3 =	vadd.s32 v1, v3  }
0x54: {  	[hbm4b:s4+s2] =	stream.indirect_vreg.scatter [tilespmem:s18], [sflag:$0x1], $0x80, v4, vm0, $0xb8;
	[tilespmem:$0xE080] =	vst v63  }
0x55: {  	_ = 	snop  }
0x56: {  	[hbm4b:s5+s2] =	stream.indirect_vreg.scatter [tilespmem:s19], [sflag:$0x1], $0x80, v4, vm0, $0xb8;
	[tilespmem:$0xE080] =	vst v63  }
0x57: {  	_ = 	snop  }
0x58: {  	[hbm4b:s3+s2] =	stream.indirect_vreg.scatter [tilespmem:s20], [sflag:$0x1], $0x80, v3, vm0, $0xb8;
	[tilespmem:$0xE080] =	vst v63  }
0x59: {  	_ = 	snop  }
0x5a: {  	[hbm4b:s4+s2] =	stream.indirect_vreg.scatter [tilespmem:s21], [sflag:$0x1], $0x80, v3, vm0, $0xb8;
	[tilespmem:$0xE080] =	vst v63  }
0x5b: {  	_ = 	snop  }
0x5c: {  	[hbm4b:s5+s2] =	stream.indirect_vreg.scatter [tilespmem:s22], [sflag:$0x1], $0x80, v3, vm0, $0xb8;
	[tilespmem:$0xE080] =	vst v63  }
0x5d: {  	v3 =	vld [tilespmem:$0x30];
	_ =	sdelay $0x4  }
0x5e: {  	v63 =	vshrl.u32 v3, $0x3  }
0x5f: {  	v4 =	vmul.u32 $0x30, v63  }
0x60: {  	v3 =	vand.u32 $0x7, v3  }
0x61: {  	v3 =	vor.u32 v3, v4  }
0x62: {  	v4 =	vperm.xlane v3, v0;
	_ =	sdelay $0x1  }
0x63: {  	v4 =	vadd.s32 v1, v4;
	_ =	sdelay $0x3  }
0x64: {  	v3 =	vperm.xlane v3, v2  }
0x65: {  	[hbm4b:s3+s2] =	stream.indirect_vreg.scatter [tilespmem:s23], [sflag:$0x1], $0x80, v4, vm0, $0xb8;
	[tilespmem:$0xE080] =	vst v63  }
0x66: {  	v3 =	vadd.s32 v1, v3  }
0x67: {  	[hbm4b:s4+s2] =	stream.indirect_vreg.scatter [tilespmem:s24], [sflag:$0x1], $0x80, v4, vm0, $0xb8;
	[tilespmem:$0xE080] =	vst v63  }
0x68: {  	_ = 	snop  }
0x69: {  	[hbm4b:s5+s2] =	stream.indirect_vreg.scatter [tilespmem:s25], [sflag:$0x1], $0x80, v4, vm0, $0xb8;
	[tilespmem:$0xE080] =	vst v63  }
0x6a: {  	_ = 	snop  }
0x6b: {  	[hbm4b:s3+s2] =	stream.indirect_vreg.scatter [tilespmem:s26], [sflag:$0x1], $0x80, v3, vm0, $0xb8;
	[tilespmem:$0xE080] =	vst v63  }
0x6c: {  	_ = 	snop  }
0x6d: {  	[hbm4b:s4+s2] =	stream.indirect_vreg.scatter [tilespmem:s28], [sflag:$0x1], $0x80, v3, vm0, $0xb8;
	[tilespmem:$0xE080] =	vst v63  }
0x6e: {  	_ = 	snop  }
0x6f: {  	[hbm4b:s5+s2] =	stream.indirect_vreg.scatter [tilespmem:s29], [sflag:$0x1], $0x80, v3, vm0, $0xb8;
	[tilespmem:$0xE080] =	vst v63  }
0x70: {  	s10 =	rddreg [dreg:$0x4]  }
0x71: {  	[hbm4b:s10+s30] =	stream.indirect.scatter [tilespmem:s9], [sflag:$0x2], $0x80, s2, s30, $0xb8;
	[tilespmem:$0xE080] =	vst v63  }
0x72: {  	p0 =	sne.s32 s6, $0x1;
	_ =	swait.ge [sflag:s31], $0xC000  }
.Ltmp0:
0x73: {  	[sflag:s31] =	ssyncset.done $0x0;
	(pc) =	sbr.rel @p0 .LBB2_1-.Ltmp0, $4  }
0x74: {  	[sflag:s31] =	ssyncadd.s32 $0xFFFF4000  }
0x75: {  	_ =	swait.ge [sflag:s1], $0x2000  }
0x76: {  	[sflag:s1] =	ssyncset.done $0x0  }
0x77: {  	s6 =	sadd.s32 $0xFFFFFFFF, s6;
	[sflag:s1] =	ssyncadd.s32 $0xFFFFE000  }
0x78: {  	_ =	sfence.sel $0x180000  }
0x79: {  	[bflag:$0x0] =	sbarrier.arrive $0xFFFF  }
0x7a: {  	_ =	strace $0x90000047  }
0x7b: {  	s0 =	stileid.u32;
	[bflag:$0x2] =	sbarrier.arrive $0xFFFF  }
0x7c: {  	p0 =	sne.s32 s0, $0x0;
	s0 =	rddreg [dreg:$0x3]  }
0x7d: {  	s0 =	sadd.s32 @!p0 $0x100000, s0  }
0x7e: {  	[sflag:s0] =	ssyncadd.tile.s32 @!p0 $0x1;
	_ =	shalt  }
.Lfunc_end2:
_tile_overlayer_lowered:
.L_overlay_start_2:
0x7f: {  	(tag) =	ssettag $0x2  }
0x80: {  	s0 =	rddreg [dreg:$0x0];
	s2 =	stileid.u32  }
0x81: {  	s1 =	rddreg [dreg:$0x1];
	p0 =	sne.s32 s2, $0x0  }
0x82: {  	s3 =	rddreg [dreg:$0x2];
	[bflag:$0x3] =	sbarrier.arrive $0xFFFF;
	s2 =	simm.s32 @!p0 $0x1C03  }
0x83: {  	[timem:s3], [sflag:s2] =	dma.local @!p0 [hbm:s0], s1  }
0x84: {  	s0 =	simm.s32 @!p0 $0x3  }
0x85: {  	_ =	swait.ge @!p0 [sflag:s0], s1  }
0x86: {  	s1 =	ssub.s32 @!p0 $0x0, s1;
	[sflag:s0] =	ssyncset.done @!p0 $0x0  }
0x87: {  	[sflag:s0] =	ssyncadd.s32 @!p0 s1  }
0x88: {  	[bflag:$0x3] =	sbarrier.arrive $0xFFFF  }
0x89: {  	_ =	shalt  }

// kernel: kernel.9.cloned.1.call-start
scs
__scs_entry_jumppad:
0x0: {  	(pc) =	sbr.rel $0x88, $3  }
0x1: {  	(tag) =	ssettag $0x0;
	lr =	simm.s32 $0x1  }
0x2: {  	[smem:$0x3F9B] =	sst lr;
	_ =	strace $0xD0000000  }
0x3: {  	_ = 	snop  }
0x4: {  	_ = 	snop  }
0x5: {  	_ = 	snop  }
0x6: {  	_ = 	snop  }
0x7: {  	_ = 	snop  }
__scs_overlays_trampoline_lowered:
0x8: {  	[smem:$0x3FAA] =	sst s0  }
0x9: {  	[smem:$0x3FAB] =	sst s1  }
0xa: {  	[smem:$0x3FAC] =	sst s2  }
0xb: {  	[smem:$0x3FAD] =	sst s3  }
0xc: {  	[smem:$0x3FAE] =	sst s4  }
0xd: {  	[smem:$0x3FAF] =	sst s5  }
0xe: {  	[smem:$0x3FB0] =	sst s6  }
0xf: {  	[smem:$0x3FB1] =	sst s7  }
0x10: {  	[smem:$0x3FB2] =	sst s8  }
0x11: {  	[smem:$0x3FB3] =	sst s9;
	s0 =	simm.s32 @!p0 $0x0  }
0x12: {  	s1 =	sld [smem:$0x3F99];
	s0 =	simm.s32 @p0 $0x1  }
0x13: {  	[smem:$0x3FB4] =	sst s0;
	s0 =	simm.s32 @!p1 $0x0  }
0x14: {  	s2 =	sld [smem:$0x3F98];
	s0 =	simm.s32 @p1 $0x1  }
0x15: {  	[smem:$0x3FB5] =	sst s0;
	s0 =	simm.s32 @!p2 $0x0  }
0x16: {  	s3 =	sld [smem:$0x3FDB];
	s0 =	simm.s32 @p2 $0x1  }
0x17: {  	s4 =	simm.s32 $0x1BF5;
	[smem:$0x3FB7] =	sst s0  }
0x18: {  	s0 =	sld [smem:$0x3F9A];
	_ =	swait.ge [sflag:s4], $0x0  }
0x19: {  	s7 =	sld [smem:$0x3F9B]  }
0x1a: {  	s8 =	sadd.s32 $0xFFFFE003, lr  }
0x1b: {  	s9 =	sadd.s32 $0xFFFFFEF7, lr;
	s5 =	simm.s32 $0xFFFFFFFF;
	p2 =	slt.u32 s8, $0xFFFFF086  }
0x1c: {  	p1 =	slt.u32 s9, $0xF7A;
	s5 =	simm.s32 @!p2 $0x0  }
0x1d: {  	s5 =	simm.s32 @p1 $0x1;
	p0 =	seq.s32 s7, s2  }
0x1e: {  	s7 =	smul.u32 @!p0 $0xF7A, s2;
	p2 =	seq.s32 @!p0 s5, $0x0  }
0x1f: {  	s9 =	smul.u32 $0xF7A, s1;
	s8 =	simm.s32 @!p0 $0x1BF5;
	p2 =	por !p2, p0  }
0x20: {  	[sflag:s8] =	ssyncset.s32 @!p0 $0xFFFFF086;
	s6 =	sadd.s32 @!p0 s3, s7;
	s7 =	simm.s32 @!p0 $0x108  }
0x21: {  	s3 =	sadd.s32 s3, s9;
	s6 =	sadd.s32 @!p0 $0x88, s6;
	s7 =	simm.s32 @p2 $0x1082  }
0x22: {  	[simem:s7], [sflag:s8] =	dma.local @!p0 [hbm:s6], $0xF7A  }
0x23: {  	s9 =	sor.u32 $0xD0000000, s2;
	s6 =	simm.s32 $0x108;
	_ =	swait.ge @!p0 [sflag:s8], $0x0  }
0x24: {  	s3 =	sadd.s32 $0x88, s3;
	s6 =	simm.s32 @!p1 $0x1082;
	[sflag:s4] =	ssyncset.s32 $0xFFFFF086  }
0x25: {  	[simem:s6], [sflag:s4] =	dma.local [hbm:s3], $0xF7A  }
0x26: {  	[smem:$0x3F9B] =	sst s1;
	(tag) =	ssettag s2;
	_ =	strace s9  }
0x27: {  	s1 =	sld [smem:$0x3FAB]  }
0x28: {  	s2 =	sld [smem:$0x3FAC]  }
0x29: {  	s4 =	sld [smem:$0x3FAE]  }
0x2a: {  	p0 =	seq.s32 s5, $0x0;
	s5 =	sld [smem:$0x3FAF]  }
0x2b: {  	s6 =	sld [smem:$0x3FB0]  }
0x2c: {  	s7 =	sld [smem:$0x3FB1]  }
0x2d: {  	s3 =	simm.s32 $0x108;
	s8 =	sld [smem:$0x3FB2]  }
0x2e: {  	s3 =	simm.s32 @!p0 $0x1082;
	s9 =	sld [smem:$0x3FB3]  }
0x2f: {  	lr =	sadd.s32 s0, s3;
	s0 =	sld [smem:$0x3FAA]  }
0x30: {  	s3 =	sld [smem:$0x3FAD]  }
0x31: {  	[smem:$0x3FB6] =	sst s10  }
0x32: {  	s10 =	sld [smem:$0x3FB4];
	_ =	sdelay $0x3  }
0x33: {  	p0 =	seq.s32 s10, $0x1;
	s10 =	sld [smem:$0x3FB6];
	_ =	sdelay $0x3  }
0x34: {  	[smem:$0x3FB6] =	sst s10  }
0x35: {  	s10 =	sld [smem:$0x3FB5];
	_ =	sdelay $0x3  }
0x36: {  	p1 =	seq.s32 s10, $0x1;
	s10 =	sld [smem:$0x3FB6];
	_ =	sdelay $0x3  }
0x37: {  	[smem:$0x3FB6] =	sst s10  }
0x38: {  	s10 =	sld [smem:$0x3FB7]  }
0x39: {  	_ = 	snop;
	(pc) =	sbr.ind lr, $3  }
0x3a: {  	_ = 	snop  }
0x3b: {  	_ = 	snop  }
0x3c: {  	p2 =	seq.s32 s10, $0x1;
	s10 =	sld [smem:$0x3FB6]  }
0x3d: {  	_ =	shalt  }
0x3e: {  	_ =	shalt  }
0x3f: {  	_ =	shalt  }
0x40: {  	_ =	shalt  }
0x41: {  	_ =	shalt  }
0x42: {  	_ =	shalt  }
0x43: {  	_ =	shalt  }
0x44: {  	_ =	shalt  }
0x45: {  	_ =	shalt  }
0x46: {  	_ =	shalt  }
0x47: {  	_ =	shalt  }
0x48: {  	_ =	shalt  }
0x49: {  	_ =	shalt  }
0x4a: {  	_ =	shalt  }
0x4b: {  	_ =	shalt  }
0x4c: {  	_ =	shalt  }
0x4d: {  	_ =	shalt  }
0x4e: {  	_ =	shalt  }
0x4f: {  	_ =	shalt  }
0x50: {  	_ =	shalt  }
0x51: {  	_ =	shalt  }
0x52: {  	_ =	shalt  }
0x53: {  	_ =	shalt  }
0x54: {  	_ =	shalt  }
0x55: {  	_ =	shalt  }
0x56: {  	_ =	shalt  }
0x57: {  	_ =	shalt  }
0x58: {  	_ =	shalt  }
0x59: {  	_ =	shalt  }
0x5a: {  	_ =	shalt  }
0x5b: {  	_ =	shalt  }
0x5c: {  	_ =	shalt  }
0x5d: {  	_ =	shalt  }
0x5e: {  	_ =	shalt  }
0x5f: {  	_ =	shalt  }
0x60: {  	_ =	shalt  }
0x61: {  	_ =	shalt  }
0x62: {  	_ =	shalt  }
0x63: {  	_ =	shalt  }
0x64: {  	_ =	shalt  }
0x65: {  	_ =	shalt  }
0x66: {  	_ =	shalt  }
0x67: {  	_ =	shalt  }
0x68: {  	_ =	shalt  }
0x69: {  	_ =	shalt  }
0x6a: {  	_ =	shalt  }
0x6b: {  	_ =	shalt  }
0x6c: {  	_ =	shalt  }
0x6d: {  	_ =	shalt  }
0x6e: {  	_ =	shalt  }
0x6f: {  	_ =	shalt  }
0x70: {  	_ =	shalt  }
0x71: {  	_ =	shalt  }
0x72: {  	_ =	shalt  }
0x73: {  	_ =	shalt  }
0x74: {  	_ =	shalt  }
0x75: {  	_ =	shalt  }
0x76: {  	_ =	shalt  }
0x77: {  	_ =	shalt  }
0x78: {  	_ =	shalt  }
0x79: {  	_ =	shalt  }
0x7a: {  	_ =	shalt  }
0x7b: {  	_ =	shalt  }
0x7c: {  	_ =	shalt  }
0x7d: {  	_ =	shalt  }
0x7e: {  	_ =	shalt  }
0x7f: {  	_ =	shalt  }
0x80: {  	_ =	shalt  }
0x81: {  	_ =	shalt  }
0x82: {  	_ =	shalt  }
0x83: {  	_ =	shalt  }
0x84: {  	_ =	shalt  }
0x85: {  	_ =	shalt  }
0x86: {  	_ =	shalt  }
0x87: {  	_ =	shalt  }
.Lfunc_end0:
.L_simem_size_0:
called_computation.1_lowered:
.L_overlay_start_0:
0x88: {  	s2 =	sld [smem:$0x3FD9]  }
0x89: {  	s3 =	sld [smem:$0x3FFE];
	_ =	sdelay $0x1  }
0x8a: {  	s1 =	srdreg.scid  }
0x8b: {  	s0 =	sand.u32 $0x1, s1  }
0x8c: {  	s14 =	sshll.u32 s0, $0xA;
	s2 =	sadd.s32 s3, s2  }
0x8d: {  	s2 =	sadd.s32 s2, s14  }
0x8e: {  	[smem:$0x3FC2] =	sst s2  }
0x8f: {  	_ = 	snop  }
0x90: {  	s2 =	sld [smem:$0x3FD0];
	_ =	sdelay $0x2  }
0x91: {  	s15 =	simm.s32 $0xA;
	s4 =	simm.s32 $0x10  }
0x92: {  	[smem:s4], [sflag:s15] =	dma.local [hbm:s2], $0x1  }
0x93: {  	_ =	swait.eq [sflag:s15], $0x1  }
0x94: {  	[sflag:s15] =	ssyncset.done $0x0  }
0x95: {  	[sflag:s15] =	ssyncadd.s32 $0xFFFFFFFF  }
0x96: {  	s16 =	sld [smem:$0x10];
	(tm) =	ssettm $0x1  }
0x97: {  	s17 =	sld [smem:$0x3FFB];
	_ =	sdelay $0x3  }
0x98: {  	_ =	strace s17  }
0x99: {  	s3 =	sld [smem:$0x3FFC];
	_ =	sdelay $0x3  }
0x9a: {  	_ =	strace s3  }
0x9b: {  	s3 =	sld [smem:$0x3FFD];
	_ =	sdelay $0x3  }
0x9c: {  	_ =	strace s3  }
0x9d: {  	_ =	strace $0x8FFFFFFF  }
0x9e: {  	s18 =	sld [smem:$0x3FDB];
	_ =	sdelay $0x1  }
0x9f: {  	s19 =	simm.s32 $_scs_section_size  }
0xa0: {  	s5 =	simm.s32 $_size__tile_overlayer_lowered;
	s6 =	simm.s32 $_tile_overlayer_lowered  }
0xa1: {  	s22 =	simm.s32 $0x1BFF;
	s21 =	sshll.u32 s6, $0x1;
	s3 =	sadd.s32 s19, s18  }
0xa2: {  	s7 =	simm.s32 $0x0;
	s20 =	sshll.u32 s5, $0x1;
	s5 =	sadd.s32 s21, s3  }
0xa3: {  	[timem:s7], [sflag:s22] =	dma.local [hbm:s5], s20  }
0xa4: {  	_ =	swait.ge [sflag:s22], s20  }
0xa5: {  	s4 =	ssub.s32 $0x0, s20;
	[sflag:s22] =	ssyncset.done $0x0  }
0xa6: {  	[sflag:s22] =	ssyncadd.s32 s4;
	_ =	sdelay $0x1  }
0xa7: {  	s23 =	simm.s32 $0x1B8B  }
0xa8: {  	_ =	swait.ge [sflag:s23], $0x1  }
0xa9: {  	[sflag:s23] =	ssyncset.done $0x0  }
0xaa: {  	s25 =	simm.s32 $0x1B8E;
	s24 =	sld [smem:$0x3FFE];
	[sflag:s23] =	ssyncadd.s32 $0xFFFFFFFF  }
0xab: {  	s26 =	simm.s32 $execute0_lowered;
	[smem:$0x3FD2] =	sst s25  }
0xac: {  	s5 =	sshll.u32 s26, $0x1;
	_ =	strace $0x80000049;
	[dreg:$0x1] =	wrdreg $0xFFFFFFFF  }
0xad: {  	s28 =	simm.s32 $_size_execute0_lowered;
	s3 =	sadd.s32 s3, s5;
	[dreg:$0x0] =	wrdreg $0x0  }
0xae: {  	s5 =	sshll.u32 s28, $0x1;
	[dreg:$0x2] =	wrdreg s3  }
0xaf: {  	[dreg:$0x3] =	wrdreg s5  }
0xb0: {  	[dreg:$0x4] =	wrdreg $0xC0  }
0xb1: {  	_ =	task [dreg:s7], $0x5FFFF  }
0xb2: {  	[dreg:$0x1] =	wrdreg $0xFFFFFFFF  }
0xb3: {  	[dreg:$0x0] =	wrdreg $0x60  }
0xb4: {  	[dreg:$0x2] =	wrdreg s24  }
0xb5: {  	[dreg:$0x3] =	wrdreg s16  }
0xb6: {  	[dreg:$0x4] =	wrdreg $0x9  }
0xb7: {  	_ =	task.clear_ibuf [dreg:s7], $0x5FFFF;
	_ =	strace $0x90000049  }
0xb8: {  	s29 =	simm.s32 $0x9;
	_ =	strace $0x8000004B  }
0xb9: {  	_ =	swait.ge [sflag:s29], $0x1  }
0xba: {  	[sflag:s29] =	ssyncadd.s32 $0xFFFFFFFF  }
0xbb: {  	_ =	strace $0x9000004B  }
0xbc: {  	_ =	sfence  }
0xbd: {  	s30 =	sld [smem:$0x0];
	_ =	sdelay $0x2  }
0xbe: {  	s31 =	sshll.u32 s1, $0xD;
	s1 =	sshrl.u32 s1, $0x2  }
0xbf: {  	s3 =	sand.u32 $0x4000, s31;
	s1 =	sadd.s32 s1, s30  }
0xc0: {  	s0 =	sor.u32 s3, s0;
	s1 =	sshll.u32 s1, $0x11  }
0xc1: {  	s0 =	sor.u32 s1, s0  }
0xc2: {  	s0 =	sadd.s32 $0x8F2B, s0  }
0xc3: {  	[sflag:s0] =	ssyncadd.remote.s32 $0x1  }
0xc4: {  	_ =	sfence.sel $0xFFFF  }
0xc5: {  	[dreg:$0x0] =	wrdreg $0xFFFFFFFF;
	(pc) =	sbr.abs _section_cstart, $3  }
0xc6: {  	[dreg:$0x1] =	wrdreg $0xFFFFFFFF  }
0xc7: {  	_ =	task.clear_ibuf [dreg:s7], $0x2FFFF;
	_ =	strace $0x9FFFFFFF  }
0xc8: {  	(tm) =	ssettm $0x7FFFFFFF  }
0xc9: {  	_ =	shalt  }
tec
execute0_lowered:
.L_overlay_start_1:
0x0: {  	(tag) =	ssettag $0x1  }
0x1: {  	s0 =	rddreg [dreg:$0x0]  }
0x2: {  	s5 =	rddreg [dreg:$0x1];
	s3 =	srdreg.scid  }
0x3: {  	s2 =	simm.s32 $0x0;
	s1 =	stileid.u32;
	s26 =	simm.s32 $0x880  }
0x4: {  	s10 =	simm.s32 $0x1880;
	s11 =	simm.s32 $0x2080;
	s12 =	simm.s32 $0x2880  }
0x5: {  	s13 =	simm.s32 $0x3080;
	s14 =	simm.s32 $0x3880;
	s15 =	simm.s32 $0x4080  }
0x6: {  	s16 =	simm.s32 $0x4880;
	s17 =	simm.s32 $0x5080;
	s18 =	simm.s32 $0x5880  }
0x7: {  	s19 =	simm.s32 $0x6080;
	s20 =	simm.s32 $0x6880;
	s21 =	simm.s32 $0x7080  }
0x8: {  	s22 =	simm.s32 $0x7880;
	s28 =	simm.s32 $0xA080;
	s29 =	simm.s32 $0xA880  }
0x9: {  	s30 =	simm.s32 $0xB080;
	s31 =	simm.s32 $0xB880;
	s3 =	sand.u32 $0x1, s3  }
0xa: {  	[smem:$0x7FF] =	sst s2;
	s4 =	sshll.u32 s1, $0x4;
	s6 =	sshll.u32 s3, $0x3  }
0xb: {  	_ =	strace $0x8000004A;
	s23 =	ssub.s32 $0x2, s3;
	s3 =	sadd.s32 $0x9600, s0  }
0xc: {  	[dreg:$0x5] =	wrdreg s26;
	s26 =	simm.s32 $0x9880;
	s4 =	sor.u32 s6, s4  }
0xd: {  	s8 =	sshrl.u32 s23, $0x1;
	s7 =	sadd.s32 s4, s0;
	s9 =	smul.u32 $0x300, s4  }
0xe: {  	s6 =	ssub.s32 s23, s8;
	s4 =	sadd.s32 $0x9700, s0;
	s8 =	simm.s32 $0x80  }
0xf: {  	s23 =	simm.s32 $0x8080;
	s24 =	sadd.s32 $0x9400, s7;
	s6 =	smax.u32 s6, $0x1  }
0x10: {  	v2 =	vlaneseq.u32;
	s7 =	simm.s32 $0x2;
	[dreg:$0x3] =	wrdreg s24;
	s25 =	sadd.s32 s5, s9  }
0x11: {  	vm0 =	vmmov $0xffff;
	v1 =	vshrl.u32 v2, $0x3;
	s5 =	sadd.s32 $0x9800, s0;
	s9 =	simm.s32 $0x1080;
	s24 =	simm.s32 $0x8880  }
0x12: {  	v0 =	vand.u32 $0x7, v2;
	v2 =	vor.u32 $0x8, v2;
	v1 =	vmul.u32 $0x8, v1;
	s0 =	simm.s32 $0x1;
	[dreg:$0x4] =	wrdreg s25;
	s25 =	simm.s32 $0x9080  }
.LBB2_1:
0x13: {  	s1 =	rddreg [dreg:$0x3]  }
0x14: {  	[tilespmem:s2], [sflag:$0x2] =	stream.linear.gather [hbm4b:s1+s2], $0x40, $0x38;
	[tilespmem:$0xC080] =	vst v63  }
0x15: {  	_ =	swait.ge [sflag:s7], $0x40  }
0x16: {  	[sflag:s7] =	ssyncset.done $0x0  }
0x17: {  	[sflag:s7] =	ssyncadd.s32 $0xFFFFFFC0  }
0x18: {  	v3 =	vld [tilespmem:$0x0];
	_ =	sdelay $0x4  }
0x19: {  	v4 =	vshrl.u32 v3, $0x3  }
0x1a: {  	v4 =	vmul.u32 $0x30, v4  }
0x1b: {  	v3 =	vand.u32 $0x7, v3  }
0x1c: {  	v3 =	vor.u32 v3, v4  }
0x1d: {  	v4 =	vperm.xlane v3, v0;
	_ =	sdelay $0x1  }
0x1e: {  	v4 =	vadd.s32 v1, v4;
	_ =	sdelay $0x3  }
0x1f: {  	v3 =	vperm.xlane v3, v2  }
0x20: {  	[tilespmem:s8], [sflag:$0x1] =	stream.indirect_vreg.gather [hbm4b:s3+s2], $0x80, v4, vm0, $0xb8;
	[tilespmem:$0xC080] =	vst v63  }
0x21: {  	s1 =	rddreg [dreg:$0x5];
	v3 =	vadd.s32 v1, v3  }
0x22: {  	[tilespmem:s1], [sflag:$0x1] =	stream.indirect_vreg.gather [hbm4b:s4+s2], $0x80, v4, vm0, $0xb8;
	[tilespmem:$0xC080] =	vst v63  }
0x23: {  	_ = 	snop  }
0x24: {  	[tilespmem:s9], [sflag:$0x1] =	stream.indirect_vreg.gather [hbm4b:s5+s2], $0x80, v4, vm0, $0xb8;
	[tilespmem:$0xC080] =	vst v63  }
0x25: {  	_ = 	snop  }
0x26: {  	[tilespmem:s10], [sflag:$0x1] =	stream.indirect_vreg.gather [hbm4b:s3+s2], $0x80, v3, vm0, $0xb8;
	[tilespmem:$0xC080] =	vst v63  }
0x27: {  	_ = 	snop  }
0x28: {  	[tilespmem:s11], [sflag:$0x1] =	stream.indirect_vreg.gather [hbm4b:s4+s2], $0x80, v3, vm0, $0xb8;
	[tilespmem:$0xC080] =	vst v63  }
0x29: {  	_ = 	snop  }
0x2a: {  	[tilespmem:s12], [sflag:$0x1] =	stream.indirect_vreg.gather [hbm4b:s5+s2], $0x80, v3, vm0, $0xb8;
	[tilespmem:$0xC080] =	vst v63  }
0x2b: {  	v3 =	vld [tilespmem:$0x10];
	_ =	sdelay $0x4  }
0x2c: {  	v61 =	vshrl.u32 v3, $0x3  }
0x2d: {  	v4 =	vmul.u32 $0x30, v61  }
0x2e: {  	v3 =	vand.u32 $0x7, v3  }
0x2f: {  	v3 =	vor.u32 v3, v4  }
0x30: {  	v4 =	vperm.xlane v3, v0;
	_ =	sdelay $0x1  }
0x31: {  	v4 =	vadd.s32 v1, v4;
	_ =	sdelay $0x3  }
0x32: {  	v3 =	vperm.xlane v3, v2  }
0x33: {  	[tilespmem:s13], [sflag:$0x1] =	stream.indirect_vreg.gather [hbm4b:s3+s2], $0x80, v4, vm0, $0xb8;
	[tilespmem:$0xC080] =	vst v63  }
0x34: {  	v3 =	vadd.s32 v1, v3  }
0x35: {  	[tilespmem:s14], [sflag:$0x1] =	stream.indirect_vreg.gather [hbm4b:s4+s2], $0x80, v4, vm0, $0xb8;
	[tilespmem:$0xC080] =	vst v63  }
0x36: {  	_ = 	snop  }
0x37: {  	[tilespmem:s15], [sflag:$0x1] =	stream.indirect_vreg.gather [hbm4b:s5+s2], $0x80, v4, vm0, $0xb8;
	[tilespmem:$0xC080] =	vst v63  }
0x38: {  	_ = 	snop  }
0x39: {  	[tilespmem:s16], [sflag:$0x1] =	stream.indirect_vreg.gather [hbm4b:s3+s2], $0x80, v3, vm0, $0xb8;
	[tilespmem:$0xC080] =	vst v63  }
0x3a: {  	_ = 	snop  }
0x3b: {  	[tilespmem:s17], [sflag:$0x1] =	stream.indirect_vreg.gather [hbm4b:s4+s2], $0x80, v3, vm0, $0xb8;
	[tilespmem:$0xC080] =	vst v63  }
0x3c: {  	_ = 	snop  }
0x3d: {  	[tilespmem:s18], [sflag:$0x1] =	stream.indirect_vreg.gather [hbm4b:s5+s2], $0x80, v3, vm0, $0xb8;
	[tilespmem:$0xC080] =	vst v63  }
0x3e: {  	v3 =	vld [tilespmem:$0x20];
	_ =	sdelay $0x4  }
0x3f: {  	v62 =	vshrl.u32 v3, $0x3  }
0x40: {  	v4 =	vmul.u32 $0x30, v62  }
0x41: {  	v3 =	vand.u32 $0x7, v3  }
0x42: {  	v3 =	vor.u32 v3, v4  }
0x43: {  	v4 =	vperm.xlane v3, v0;
	_ =	sdelay $0x1  }
0x44: {  	v4 =	vadd.s32 v1, v4;
	_ =	sdelay $0x3  }
0x45: {  	v3 =	vperm.xlane v3, v2  }
0x46: {  	[tilespmem:s19], [sflag:$0x1] =	stream.indirect_vreg.gather [hbm4b:s3+s2], $0x80, v4, vm0, $0xb8;
	[tilespmem:$0xC080] =	vst v63  }
0x47: {  	v3 =	vadd.s32 v1, v3  }
0x48: {  	[tilespmem:s20], [sflag:$0x1] =	stream.indirect_vreg.gather [hbm4b:s4+s2], $0x80, v4, vm0, $0xb8;
	[tilespmem:$0xC080] =	vst v63  }
0x49: {  	_ = 	snop  }
0x4a: {  	[tilespmem:s21], [sflag:$0x1] =	stream.indirect_vreg.gather [hbm4b:s5+s2], $0x80, v4, vm0, $0xb8;
	[tilespmem:$0xC080] =	vst v63  }
0x4b: {  	_ = 	snop  }
0x4c: {  	[tilespmem:s22], [sflag:$0x1] =	stream.indirect_vreg.gather [hbm4b:s3+s2], $0x80, v3, vm0, $0xb8;
	[tilespmem:$0xC080] =	vst v63  }
0x4d: {  	_ = 	snop  }
0x4e: {  	[tilespmem:s23], [sflag:$0x1] =	stream.indirect_vreg.gather [hbm4b:s4+s2], $0x80, v3, vm0, $0xb8;
	[tilespmem:$0xC080] =	vst v63  }
0x4f: {  	_ = 	snop  }
0x50: {  	[tilespmem:s24], [sflag:$0x1] =	stream.indirect_vreg.gather [hbm4b:s5+s2], $0x80, v3, vm0, $0xb8;
	[tilespmem:$0xC080] =	vst v63  }
0x51: {  	v3 =	vld [tilespmem:$0x30];
	_ =	sdelay $0x4  }
0x52: {  	v63 =	vshrl.u32 v3, $0x3  }
0x53: {  	v4 =	vmul.u32 $0x30, v63  }
0x54: {  	v3 =	vand.u32 $0x7, v3  }
0x55: {  	v3 =	vor.u32 v3, v4  }
0x56: {  	v4 =	vperm.xlane v3, v0;
	_ =	sdelay $0x1  }
0x57: {  	v4 =	vadd.s32 v1, v4;
	_ =	sdelay $0x3  }
0x58: {  	v3 =	vperm.xlane v3, v2  }
0x59: {  	[tilespmem:s25], [sflag:$0x1] =	stream.indirect_vreg.gather [hbm4b:s3+s2], $0x80, v4, vm0, $0xb8;
	[tilespmem:$0xC080] =	vst v63  }
0x5a: {  	v3 =	vadd.s32 v1, v3  }
0x5b: {  	[tilespmem:s26], [sflag:$0x1] =	stream.indirect_vreg.gather [hbm4b:s4+s2], $0x80, v4, vm0, $0xb8;
	[tilespmem:$0xC080] =	vst v63  }
0x5c: {  	_ = 	snop  }
0x5d: {  	[tilespmem:s28], [sflag:$0x1] =	stream.indirect_vreg.gather [hbm4b:s5+s2], $0x80, v4, vm0, $0xb8;
	[tilespmem:$0xC080] =	vst v63  }
0x5e: {  	_ = 	snop  }
0x5f: {  	[tilespmem:s29], [sflag:$0x1] =	stream.indirect_vreg.gather [hbm4b:s3+s2], $0x80, v3, vm0, $0xb8;
	[tilespmem:$0xC080] =	vst v63  }
0x60: {  	_ = 	snop  }
0x61: {  	[tilespmem:s30], [sflag:$0x1] =	stream.indirect_vreg.gather [hbm4b:s4+s2], $0x80, v3, vm0, $0xb8;
	[tilespmem:$0xC080] =	vst v63  }
0x62: {  	_ = 	snop  }
0x63: {  	[tilespmem:s31], [sflag:$0x1] =	stream.indirect_vreg.gather [hbm4b:s5+s2], $0x80, v3, vm0, $0xb8;
	[tilespmem:$0xC080] =	vst v63  }
0x64: {  	_ =	swait.ge [sflag:s0], $0xC000  }
0x65: {  	p0 =	sne.s32 s6, $0x1;
	[sflag:s0] =	ssyncset.done $0x0  }
.Ltmp0:
0x66: {  	s1 =	rddreg [dreg:$0x4];
	[sflag:s0] =	ssyncadd.s32 $0xFFFF4000;
	(pc) =	sbr.rel @p0 .LBB2_1-.Ltmp0, $4  }
0x67: {  	[hbm4b:s1+s2] =	stream.linear.scatter [tilespmem:s8], [sflag:$0x2], $0xC000, $0x38;
	[tilespmem:$0xC080] =	vst v63  }
0x68: {  	_ =	swait.ge [sflag:s7], $0xC000  }
0x69: {  	[sflag:s7] =	ssyncset.done $0x0  }
0x6a: {  	s6 =	sadd.s32 $0xFFFFFFFF, s6;
	[sflag:s7] =	ssyncadd.s32 $0xFFFF4000  }
0x6b: {  	_ =	sfence.sel $0x180000  }
0x6c: {  	[bflag:$0x0] =	sbarrier.arrive $0xFFFF  }
0x6d: {  	_ =	strace $0x9000004A  }
0x6e: {  	s0 =	stileid.u32;
	[bflag:$0x2] =	sbarrier.arrive $0xFFFF  }
0x6f: {  	p0 =	sne.s32 s0, $0x0;
	s0 =	rddreg [dreg:$0x2]  }
0x70: {  	s0 =	sadd.s32 @!p0 $0x100000, s0  }
0x71: {  	[sflag:s0] =	ssyncadd.tile.s32 @!p0 $0x1;
	_ =	shalt  }
.Lfunc_end2:
_tile_overlayer_lowered:
.L_overlay_start_2:
0x72: {  	(tag) =	ssettag $0x2  }
0x73: {  	s0 =	rddreg [dreg:$0x0];
	s2 =	stileid.u32  }
0x74: {  	s1 =	rddreg [dreg:$0x1];
	p0 =	sne.s32 s2, $0x0  }
0x75: {  	s3 =	rddreg [dreg:$0x2];
	[bflag:$0x3] =	sbarrier.arrive $0xFFFF;
	s2 =	simm.s32 @!p0 $0x1C02  }
0x76: {  	[timem:s3], [sflag:s2] =	dma.local @!p0 [hbm:s0], s1  }
0x77: {  	s0 =	simm.s32 @!p0 $0x2  }
0x78: {  	_ =	swait.ge @!p0 [sflag:s0], s1  }
0x79: {  	s1 =	ssub.s32 @!p0 $0x0, s1;
	[sflag:s0] =	ssyncset.done @!p0 $0x0  }
0x7a: {  	[sflag:s0] =	ssyncadd.s32 @!p0 s1  }
0x7b: {  	[bflag:$0x3] =	sbarrier.arrive $0xFFFF  }
0x7c: {  	_ =	shalt  }

</sc_bundles>
